<compile_context>
chip_gen: v7x
topology: tpu7x:2x2x1
jax: 0.10.2.dev20260603
libtpu: 0.0.44.dev20260713+nightly
codegen_flags: <defaults>
</compile_context>

<pallas_src>
import functools

import jax
import jax.numpy as jnp
from jax import lax
from jax.experimental import pallas as pl
from jax.experimental.pallas import tpu as pltpu
from jax.experimental.pallas import tpu_sc as plsc

B = 16
N = 1000
NP = 1024
HW = 576
TOPK = 25
NCHUNK = NP // 16

_BIG = 1 << 30
_NEG = float("-inf")

_SC_PARAMS = pltpu.CompilerParams(
    needs_layout_passes=False, use_tc_tiling_on_sc=False
)


def _sc_topk_mask(logits_flat):
    mesh = plsc.VectorSubcoreMesh(
        core_axis_name="c", subcore_axis_name="s", num_cores=1
    )

    @functools.partial(
        pl.kernel,
        out_type=jax.ShapeDtypeStruct((B * NP,), jnp.float32),
        mesh=mesh,
        scratch_types=[
            pltpu.VMEM((NP,), jnp.float32),
            pltpu.VMEM((NP,), jnp.float32),
        ],
        compiler_params=_SC_PARAMS,
    )
    def k(lg_hbm, m_hbm, row_v, mrow_v):
        b = lax.axis_index("s")
        lane = lax.broadcasted_iota(jnp.int32, (16,), 0)
        lane0 = lane == 0

        pltpu.sync_copy(lg_hbm.at[pl.ds(b * N, N)], row_v.at[pl.ds(0, N)])

        c62 = row_v[pl.ds(62 * 16, 16)]
        row_v[pl.ds(62 * 16, 16)] = jnp.where(lane < 8, c62, _NEG)
        row_v[pl.ds(63 * 16, 16)] = jnp.full((16,), _NEG)

        def zstep(j, carry):
            mrow_v[pl.ds(j * 16, 16)] = jnp.zeros((16,), jnp.float32)
            return carry

        lax.fori_loop(0, NCHUNK, zstep, jnp.int32(0), unroll=8)

        def extract(kk, carry):
            def scan(j, acc):
                acc_v, acc_i = acc
                v = row_v[pl.ds(j * 16, 16)]
                i = lane + j * 16
                take = v > acc_v
                return (jnp.where(take, v, acc_v), jnp.where(take, i, acc_i))

            acc_v, acc_i = lax.fori_loop(
                0, NCHUNK, scan,
                (jnp.full((16,), _NEG), jnp.full((16,), _BIG)),
                unroll=8,
            )
            m = jnp.max(acc_v)
            ci = jnp.min(jnp.where(acc_v == m, acc_i, _BIG))
            idx = jnp.full((16,), ci, jnp.int32)
            plsc.store_scatter(mrow_v, [idx],
                               jnp.full((16,), 1.0, jnp.float32), mask=lane0)
            plsc.store_scatter(row_v, [idx],
                               jnp.full((16,), _NEG), mask=lane0)
            return carry

        lax.fori_loop(0, TOPK, extract, jnp.int32(0))

        pltpu.sync_copy(mrow_v, m_hbm.at[pl.ds(b * NP, NP)])

    return k(logits_flat)


def _tc_channel_sums(tfeat, p):

    NBUF = 8

    def body(t_hbm, p_ref, s_ref, ps_ref, bufs, sems):
        ps_ref[...] = jnp.sum(p_ref[...]).reshape(1, 1)

        for i in range(NBUF):
            pltpu.make_async_copy(
                t_hbm.at[pl.ds(i, 1)], bufs.at[i], sems.at[i]
            ).start()

        for b in range(B):
            i = b % NBUF
            pltpu.make_async_copy(
                t_hbm.at[pl.ds(b, 1)], bufs.at[i], sems.at[i]
            ).wait()
            sb = jnp.sum(bufs[i], axis=(0, 1))
            sb = jnp.pad(sb, (0, NP - N)).reshape(8, 128)
            s_ref[pl.ds(8 * b, 8), :] = sb
            if b + NBUF < B:
                pltpu.make_async_copy(
                    t_hbm.at[pl.ds(b + NBUF, 1)], bufs.at[i], sems.at[i]
                ).start()

    return pl.pallas_call(
        body,
        in_specs=[
            pl.BlockSpec(memory_space=pl.ANY),
            pl.BlockSpec((B, 1, 24, 24), lambda: (0, 0, 0, 0)),
        ],
        out_specs=(
            pl.BlockSpec((8 * B, 128), lambda: (0, 0)),
            pl.BlockSpec((1, 1), lambda: (0, 0)),
        ),
        out_shape=(
            jax.ShapeDtypeStruct((8 * B, 128), jnp.float32),
            jax.ShapeDtypeStruct((1, 1), jnp.float32),
        ),
        scratch_shapes=[
            pltpu.VMEM((NBUF, 1, HW, N), jnp.float32),
            pltpu.SemaphoreType.DMA((NBUF,)),
        ],
    )(tfeat, p)


def _tc_finish(s128, m128, psum):

    def body(s_ref, m_ref, ps_ref, o_ref):
        total = jnp.sum(s_ref[...] * m_ref[...]) + jnp.sum(ps_ref[...])
        o_ref[...] = (total * (1.0 / (B * HW))).reshape(1, 1)

    return pl.pallas_call(
        body,
        out_shape=jax.ShapeDtypeStruct((1, 1), jnp.float32),
    )(s128, m128, psum)


@jax.jit
def kernel(p, main_out, features):
    mask = _sc_topk_mask(main_out.reshape(-1))
    s128, psum = _tc_channel_sums(
        jnp.transpose(features, (0, 2, 3, 1)).reshape(B, HW, N), p
    )
    out = _tc_finish(s128, mask.reshape(8 * B, 128), psum)
    return out[0, 0]

# --- scband reference (transcript-rebuilt; emitter-appended) ---
"""Pipeline reference for scband-area-loss-82025285419449 (READ-ONLY COPY).

The authoritative reference and input builder live on the scoring server;
editing this copy changes nothing except your own understanding.
"""

import jax, jax.numpy as jnp
import numpy as np

TOPK = 25

def setup_inputs(seed: int = 0) -> dict:
    key = jax.random.key(seed)
    k1, k2, k3 = jax.random.split(key, 3)
    p = jax.random.uniform(k1, (16, 1, 24, 24), dtype=jnp.float32)
    main_out = jax.random.normal(k2, (16, 1000), dtype=jnp.float32)
    features = jax.random.normal(k3, (16, 1000, 24, 24), dtype=jnp.float32)
    return {"p": p, "main_out": main_out, "features": features}

def reference(p, main_out, features):
    B = p.shape[0]
    denom = p.shape[0] * p.shape[2] * p.shape[3]
    loss = jnp.sum(p) / denom
    probs = jax.nn.softmax(main_out, axis=-1)
    _, pred_idx = jax.lax.top_k(probs, TOPK)  # [B, TOPK]
    batch_idx = jnp.arange(B)
    for j in range(TOPK):
        feat = features[batch_idx, pred_idx[:, j], :, :]  # [B, H, W]
        loss = loss + jnp.sum(feat) / denom
    return loss

if __name__ == "__main__":
    import jax
    _d = setup_inputs()
    print(jax.jit(kernel)(*tuple(_d.values())))

</pallas_src>

<mosaic_0001>
#map = affine_map<(d0, d1) -> (0)>
module attributes {stable_mosaic.version = 14 : i64} {
  func.func @k(%arg0: i32, %arg1: i32, %arg2: memref<16000xf32, #tpu.memory_space<hbm>>, %arg3: memref<16384xf32, #tpu.memory_space<hbm>>, %arg4: memref<1024xf32, #tpu.memory_space<vmem>>, %arg5: memref<1024xf32, #tpu.memory_space<vmem>>) attributes {dimension_semantics = [#tpu.dimension_semantics<core_parallel>, #tpu.dimension_semantics<subcore_parallel>], iteration_bounds = array<i64: 1, 16>, scalar_prefetch = 0 : i64, scratch_operands = 2 : i64, tpu.core_type = #tpu.core_type<sc_vector_subcore>, window_params = [{transform_indices = #map}, {transform_indices = #map}]} {
    %iota3A = tpu.iota {dimensions = array<i32: 0>} : vector<16xi32>
    %eq3A = arith.constant 0 : i32
    %eq3A_0 = vector.broadcast %eq3A : i32 to vector<16xi32>
    %eq3A_1 = arith.cmpi eq, %iota3A, %eq3A_0 : vector<16xi32>
    %mul3A = arith.constant 1000 : i32
    %mul3A_2 = arith.muli %arg1, %mul3A : i32
    "tpu.region"() ({
      %run_scoped3A = tpu.sem_alloc : memref<!tpu.dma_semaphore, #tpu.memory_space<semaphore_mem>>
      %dma_start3A = arith.constant 0 : i32
      %dma_start3A_24 = tpu.memref_slice %arg4[%dma_start3A] : memref<1024xf32, #tpu.memory_space<vmem>> -> memref<1000xf32, #tpu.memory_space<vmem>>
      %dma_start3A_25 = tpu.memref_slice %arg2[%mul3A_2] : memref<16000xf32, #tpu.memory_space<hbm>> -> memref<1000xf32, #tpu.memory_space<hbm>>
      %dma_start3A_26 = arith.constant 0 : i32
      %dma_start3A_27 = tpu.memref_slice %arg4[%dma_start3A_26] : memref<1024xf32, #tpu.memory_space<vmem>> -> memref<1000xf32, #tpu.memory_space<vmem>>
      %dma_start3A_28 = tpu.memref_slice %arg2[%mul3A_2] : memref<16000xf32, #tpu.memory_space<hbm>> -> memref<1000xf32, #tpu.memory_space<hbm>>
      tpu.enqueue_dma source(%dma_start3A_28 : memref<1000xf32, #tpu.memory_space<hbm>>) target(%dma_start3A_27 : memref<1000xf32, #tpu.memory_space<vmem>>) target_semaphore(%run_scoped3A : memref<!tpu.dma_semaphore, #tpu.memory_space<semaphore_mem>>)
      %dma_wait3A = arith.constant 0 : i32
      %dma_wait3A_29 = tpu.memref_slice %arg4[%dma_wait3A] : memref<1024xf32, #tpu.memory_space<vmem>> -> memref<1000xf32, #tpu.memory_space<vmem>>
      %dma_wait3A_30 = tpu.memref_slice %arg2[%mul3A_2] : memref<16000xf32, #tpu.memory_space<hbm>> -> memref<1000xf32, #tpu.memory_space<hbm>>
      %dma_wait3A_31 = arith.constant 0 : i32
      %dma_wait3A_32 = tpu.memref_slice %arg4[%dma_wait3A_31] : memref<1024xf32, #tpu.memory_space<vmem>> -> memref<1000xf32, #tpu.memory_space<vmem>>
      %dma_wait3A_33 = tpu.memref_slice %arg2[%mul3A_2] : memref<16000xf32, #tpu.memory_space<hbm>> -> memref<1000xf32, #tpu.memory_space<hbm>>
      tpu.wait_dma2 semaphore(%run_scoped3A : memref<!tpu.dma_semaphore, #tpu.memory_space<semaphore_mem>>) src(%dma_wait3A_33 : memref<1000xf32, #tpu.memory_space<hbm>>) dst(%dma_wait3A_32 : memref<1000xf32, #tpu.memory_space<vmem>>)
      tpu.yield
    }) : () -> ()
    %get3A = arith.constant 992 : index
    %get3A_3 = tpu.vector_load %arg4[%get3A] {strides = array<i32>} : memref<1024xf32, #tpu.memory_space<vmem>>, vector<16xf32>,
    %lt3A = arith.constant 8 : i32
    %lt3A_4 = vector.broadcast %lt3A : i32 to vector<16xi32>
    %lt3A_5 = arith.cmpi slt, %iota3A, %lt3A_4 : vector<16xi32>
    %jit3A = arith.constant 0xFF800000 : f32
    %broadcast_in_dim3A = vector.broadcast %jit3A : f32 to vector<16xf32>
    %select_n3A = arith.select %lt3A_5, %get3A_3, %broadcast_in_dim3A : vector<16xi1>, vector<16xf32>
    %swap3A = arith.constant 992 : index
    %swap3A_6 = tpu.vector_load %arg4[%swap3A] {strides = array<i32>} : memref<1024xf32, #tpu.memory_space<vmem>>, vector<16xf32>,
    tpu.vector_store %arg4[%swap3A], %select_n3A {strides = array<i32>} : memref<1024xf32, #tpu.memory_space<vmem>>, vector<16xf32>,
    %broadcast_in_dim3A_7 = arith.constant 0xFF800000 : f32
    %broadcast_in_dim3A_8 = vector.broadcast %broadcast_in_dim3A_7 : f32 to vector<16xf32>
    %swap3A_9 = arith.constant 1008 : index
    %swap3A_10 = tpu.vector_load %arg4[%swap3A_9] {strides = array<i32>} : memref<1024xf32, #tpu.memory_space<vmem>>, vector<16xf32>,
    tpu.vector_store %arg4[%swap3A_9], %broadcast_in_dim3A_8 {strides = array<i32>} : memref<1024xf32, #tpu.memory_space<vmem>>, vector<16xf32>,
    %scan3A = arith.constant 0 : i32
    %scan3A_11 = arith.constant 0 : i32
    %scan3A_12 = arith.constant 64 : i32
    %scan3A_13 = arith.addi %scan3A_11, %scan3A_12 : i32
    %scan3A_14 = arith.constant 8 : i32
    scf.for %scan3A_24 = %scan3A_11 to %scan3A_13 step %scan3A_14  : i32 {
      %broadcast_in_dim3A_25 = arith.constant 0.000000e+00 : f32
      %broadcast_in_dim3A_26 = vector.broadcast %broadcast_in_dim3A_25 : f32 to vector<16xf32>
      %mul3A_27 = arith.constant 16 : i32
      %mul3A_28 = arith.muli %scan3A_24, %mul3A_27 : i32
      %swap3A_29 = arith.index_cast %mul3A_28 : i32 to index
      %swap3A_30 = tpu.vector_load %arg5[%swap3A_29] {strides = array<i32>} : memref<1024xf32, #tpu.memory_space<vmem>>, vector<16xf32>,
      tpu.vector_store %arg5[%swap3A_29], %broadcast_in_dim3A_26 {strides = array<i32>} : memref<1024xf32, #tpu.memory_space<vmem>>, vector<16xf32>,
      %scan3A_31 = arith.constant 1 : i32
      %scan3A_32 = arith.addi %scan3A_24, %scan3A_31 : i32
      %broadcast_in_dim3A_33 = arith.constant 0.000000e+00 : f32
      %broadcast_in_dim3A_34 = vector.broadcast %broadcast_in_dim3A_33 : f32 to vector<16xf32>
      %mul3A_35 = arith.constant 16 : i32
      %mul3A_36 = arith.muli %scan3A_32, %mul3A_35 : i32
      %swap3A_37 = arith.index_cast %mul3A_36 : i32 to index
      %swap3A_38 = tpu.vector_load %arg5[%swap3A_37] {strides = array<i32>} : memref<1024xf32, #tpu.memory_space<vmem>>, vector<16xf32>,
      tpu.vector_store %arg5[%swap3A_37], %broadcast_in_dim3A_34 {strides = array<i32>} : memref<1024xf32, #tpu.memory_space<vmem>>, vector<16xf32>,
      %scan3A_39 = arith.constant 2 : i32
      %scan3A_40 = arith.addi %scan3A_24, %scan3A_39 : i32
      %broadcast_in_dim3A_41 = arith.constant 0.000000e+00 : f32
      %broadcast_in_dim3A_42 = vector.broadcast %broadcast_in_dim3A_41 : f32 to vector<16xf32>
      %mul3A_43 = arith.constant 16 : i32
      %mul3A_44 = arith.muli %scan3A_40, %mul3A_43 : i32
      %swap3A_45 = arith.index_cast %mul3A_44 : i32 to index
      %swap3A_46 = tpu.vector_load %arg5[%swap3A_45] {strides = array<i32>} : memref<1024xf32, #tpu.memory_space<vmem>>, vector<16xf32>,
      tpu.vector_store %arg5[%swap3A_45], %broadcast_in_dim3A_42 {strides = array<i32>} : memref<1024xf32, #tpu.memory_space<vmem>>, vector<16xf32>,
      %scan3A_47 = arith.constant 3 : i32
      %scan3A_48 = arith.addi %scan3A_24, %scan3A_47 : i32
      %broadcast_in_dim3A_49 = arith.constant 0.000000e+00 : f32
      %broadcast_in_dim3A_50 = vector.broadcast %broadcast_in_dim3A_49 : f32 to vector<16xf32>
      %mul3A_51 = arith.constant 16 : i32
      %mul3A_52 = arith.muli %scan3A_48, %mul3A_51 : i32
      %swap3A_53 = arith.index_cast %mul3A_52 : i32 to index
      %swap3A_54 = tpu.vector_load %arg5[%swap3A_53] {strides = array<i32>} : memref<1024xf32, #tpu.memory_space<vmem>>, vector<16xf32>,
      tpu.vector_store %arg5[%swap3A_53], %broadcast_in_dim3A_50 {strides = array<i32>} : memref<1024xf32, #tpu.memory_space<vmem>>, vector<16xf32>,
      %scan3A_55 = arith.constant 4 : i32
      %scan3A_56 = arith.addi %scan3A_24, %scan3A_55 : i32
      %broadcast_in_dim3A_57 = arith.constant 0.000000e+00 : f32
      %broadcast_in_dim3A_58 = vector.broadcast %broadcast_in_dim3A_57 : f32 to vector<16xf32>
      %mul3A_59 = arith.constant 16 : i32
      %mul3A_60 = arith.muli %scan3A_56, %mul3A_59 : i32
      %swap3A_61 = arith.index_cast %mul3A_60 : i32 to index
      %swap3A_62 = tpu.vector_load %arg5[%swap3A_61] {strides = array<i32>} : memref<1024xf32, #tpu.memory_space<vmem>>, vector<16xf32>,
      tpu.vector_store %arg5[%swap3A_61], %broadcast_in_dim3A_58 {strides = array<i32>} : memref<1024xf32, #tpu.memory_space<vmem>>, vector<16xf32>,
      %scan3A_63 = arith.constant 5 : i32
      %scan3A_64 = arith.addi %scan3A_24, %scan3A_63 : i32
      %broadcast_in_dim3A_65 = arith.constant 0.000000e+00 : f32
      %broadcast_in_dim3A_66 = vector.broadcast %broadcast_in_dim3A_65 : f32 to vector<16xf32>
      %mul3A_67 = arith.constant 16 : i32
      %mul3A_68 = arith.muli %scan3A_64, %mul3A_67 : i32
      %swap3A_69 = arith.index_cast %mul3A_68 : i32 to index
      %swap3A_70 = tpu.vector_load %arg5[%swap3A_69] {strides = array<i32>} : memref<1024xf32, #tpu.memory_space<vmem>>, vector<16xf32>,
      tpu.vector_store %arg5[%swap3A_69], %broadcast_in_dim3A_66 {strides = array<i32>} : memref<1024xf32, #tpu.memory_space<vmem>>, vector<16xf32>,
      %scan3A_71 = arith.constant 6 : i32
      %scan3A_72 = arith.addi %scan3A_24, %scan3A_71 : i32
      %broadcast_in_dim3A_73 = arith.constant 0.000000e+00 : f32
      %broadcast_in_dim3A_74 = vector.broadcast %broadcast_in_dim3A_73 : f32 to vector<16xf32>
      %mul3A_75 = arith.constant 16 : i32
      %mul3A_76 = arith.muli %scan3A_72, %mul3A_75 : i32
      %swap3A_77 = arith.index_cast %mul3A_76 : i32 to index
      %swap3A_78 = tpu.vector_load %arg5[%swap3A_77] {strides = array<i32>} : memref<1024xf32, #tpu.memory_space<vmem>>, vector<16xf32>,
      tpu.vector_store %arg5[%swap3A_77], %broadcast_in_dim3A_74 {strides = array<i32>} : memref<1024xf32, #tpu.memory_space<vmem>>, vector<16xf32>,
      %scan3A_79 = arith.constant 7 : i32
      %scan3A_80 = arith.addi %scan3A_24, %scan3A_79 : i32
      %broadcast_in_dim3A_81 = arith.constant 0.000000e+00 : f32
      %broadcast_in_dim3A_82 = vector.broadcast %broadcast_in_dim3A_81 : f32 to vector<16xf32>
      %mul3A_83 = arith.constant 16 : i32
      %mul3A_84 = arith.muli %scan3A_80, %mul3A_83 : i32
      %swap3A_85 = arith.index_cast %mul3A_84 : i32 to index
      %swap3A_86 = tpu.vector_load %arg5[%swap3A_85] {strides = array<i32>} : memref<1024xf32, #tpu.memory_space<vmem>>, vector<16xf32>,
      tpu.vector_store %arg5[%swap3A_85], %broadcast_in_dim3A_82 {strides = array<i32>} : memref<1024xf32, #tpu.memory_space<vmem>>, vector<16xf32>,
    }
    %scan3A_15 = arith.constant 64 : i32
    %scan3A_16 = arith.constant 0 : i32
    %scan3A_17 = arith.constant 0 : i32
    %scan3A_18 = arith.constant 25 : i32
    %scan3A_19 = arith.addi %scan3A_17, %scan3A_18 : i32
    %scan3A_20 = arith.constant 1 : i32
    scf.for %scan3A_24 = %scan3A_17 to %scan3A_19 step %scan3A_20  : i32 {
      %broadcast_in_dim3A_25 = arith.constant 0xFF800000 : f32
      %broadcast_in_dim3A_26 = vector.broadcast %broadcast_in_dim3A_25 : f32 to vector<16xf32>
      %broadcast_in_dim3A_27 = arith.constant 1073741824 : i32
      %broadcast_in_dim3A_28 = vector.broadcast %broadcast_in_dim3A_27 : i32 to vector<16xi32>
      %scan3A_29 = arith.constant 0 : i32
      %scan3A_30 = arith.constant 64 : i32
      %scan3A_31 = arith.addi %scan3A_29, %scan3A_30 : i32
      %scan3A_32 = arith.constant 8 : i32
      %scan3A_33:2 = scf.for %scan3A_55 = %scan3A_29 to %scan3A_31 step %scan3A_32 iter_args(%scan3A_56 = %broadcast_in_dim3A_26, %scan3A_57 = %broadcast_in_dim3A_28) -> (vector<16xf32>, vector<16xi32>)  : i32 {
        %mul3A_58 = arith.constant 16 : i32
        %mul3A_59 = arith.muli %scan3A_55, %mul3A_58 : i32
        %get3A_60 = arith.index_cast %mul3A_59 : i32 to index
        %get3A_61 = tpu.vector_load %arg4[%get3A_60] {strides = array<i32>} : memref<1024xf32, #tpu.memory_space<vmem>>, vector<16xf32>,
        %mul3A_62 = arith.constant 16 : i32
        %mul3A_63 = arith.muli %scan3A_55, %mul3A_62 : i32
        %add3A = vector.broadcast %mul3A_63 : i32 to vector<16xi32>
        %add3A_64 = arith.addi %iota3A, %add3A : vector<16xi32>
        %gt3A = arith.cmpf ogt, %get3A_61, %scan3A_56 : vector<16xf32>
        %select_n3A_65 = arith.select %gt3A, %get3A_61, %scan3A_56 : vector<16xi1>, vector<16xf32>
        %select_n3A_66 = arith.select %gt3A, %add3A_64, %scan3A_57 : vector<16xi1>, vector<16xi32>
        %scan3A_67 = arith.constant 1 : i32
        %scan3A_68 = arith.addi %scan3A_55, %scan3A_67 : i32
        %mul3A_69 = arith.constant 16 : i32
        %mul3A_70 = arith.muli %scan3A_68, %mul3A_69 : i32
        %get3A_71 = arith.index_cast %mul3A_70 : i32 to index
        %get3A_72 = tpu.vector_load %arg4[%get3A_71] {strides = array<i32>} : memref<1024xf32, #tpu.memory_space<vmem>>, vector<16xf32>,
        %mul3A_73 = arith.constant 16 : i32
        %mul3A_74 = arith.muli %scan3A_68, %mul3A_73 : i32
        %add3A_75 = vector.broadcast %mul3A_74 : i32 to vector<16xi32>
        %add3A_76 = arith.addi %iota3A, %add3A_75 : vector<16xi32>
        %gt3A_77 = arith.cmpf ogt, %get3A_72, %select_n3A_65 : vector<16xf32>
        %select_n3A_78 = arith.select %gt3A_77, %get3A_72, %select_n3A_65 : vector<16xi1>, vector<16xf32>
        %select_n3A_79 = arith.select %gt3A_77, %add3A_76, %select_n3A_66 : vector<16xi1>, vector<16xi32>
        %scan3A_80 = arith.constant 2 : i32
        %scan3A_81 = arith.addi %scan3A_55, %scan3A_80 : i32
        %mul3A_82 = arith.constant 16 : i32
        %mul3A_83 = arith.muli %scan3A_81, %mul3A_82 : i32
        %get3A_84 = arith.index_cast %mul3A_83 : i32 to index
        %get3A_85 = tpu.vector_load %arg4[%get3A_84] {strides = array<i32>} : memref<1024xf32, #tpu.memory_space<vmem>>, vector<16xf32>,
        %mul3A_86 = arith.constant 16 : i32
        %mul3A_87 = arith.muli %scan3A_81, %mul3A_86 : i32
        %add3A_88 = vector.broadcast %mul3A_87 : i32 to vector<16xi32>
        %add3A_89 = arith.addi %iota3A, %add3A_88 : vector<16xi32>
        %gt3A_90 = arith.cmpf ogt, %get3A_85, %select_n3A_78 : vector<16xf32>
        %select_n3A_91 = arith.select %gt3A_90, %get3A_85, %select_n3A_78 : vector<16xi1>, vector<16xf32>
        %select_n3A_92 = arith.select %gt3A_90, %add3A_89, %select_n3A_79 : vector<16xi1>, vector<16xi32>
        %scan3A_93 = arith.constant 3 : i32
        %scan3A_94 = arith.addi %scan3A_55, %scan3A_93 : i32
        %mul3A_95 = arith.constant 16 : i32
        %mul3A_96 = arith.muli %scan3A_94, %mul3A_95 : i32
        %get3A_97 = arith.index_cast %mul3A_96 : i32 to index
        %get3A_98 = tpu.vector_load %arg4[%get3A_97] {strides = array<i32>} : memref<1024xf32, #tpu.memory_space<vmem>>, vector<16xf32>,
        %mul3A_99 = arith.constant 16 : i32
        %mul3A_100 = arith.muli %scan3A_94, %mul3A_99 : i32
        %add3A_101 = vector.broadcast %mul3A_100 : i32 to vector<16xi32>
        %add3A_102 = arith.addi %iota3A, %add3A_101 : vector<16xi32>
        %gt3A_103 = arith.cmpf ogt, %get3A_98, %select_n3A_91 : vector<16xf32>
        %select_n3A_104 = arith.select %gt3A_103, %get3A_98, %select_n3A_91 : vector<16xi1>, vector<16xf32>
        %select_n3A_105 = arith.select %gt3A_103, %add3A_102, %select_n3A_92 : vector<16xi1>, vector<16xi32>
        %scan3A_106 = arith.constant 4 : i32
        %scan3A_107 = arith.addi %scan3A_55, %scan3A_106 : i32
        %mul3A_108 = arith.constant 16 : i32
        %mul3A_109 = arith.muli %scan3A_107, %mul3A_108 : i32
        %get3A_110 = arith.index_cast %mul3A_109 : i32 to index
        %get3A_111 = tpu.vector_load %arg4[%get3A_110] {strides = array<i32>} : memref<1024xf32, #tpu.memory_space<vmem>>, vector<16xf32>,
        %mul3A_112 = arith.constant 16 : i32
        %mul3A_113 = arith.muli %scan3A_107, %mul3A_112 : i32
        %add3A_114 = vector.broadcast %mul3A_113 : i32 to vector<16xi32>
        %add3A_115 = arith.addi %iota3A, %add3A_114 : vector<16xi32>
        %gt3A_116 = arith.cmpf ogt, %get3A_111, %select_n3A_104 : vector<16xf32>
        %select_n3A_117 = arith.select %gt3A_116, %get3A_111, %select_n3A_104 : vector<16xi1>, vector<16xf32>
        %select_n3A_118 = arith.select %gt3A_116, %add3A_115, %select_n3A_105 : vector<16xi1>, vector<16xi32>
        %scan3A_119 = arith.constant 5 : i32
        %scan3A_120 = arith.addi %scan3A_55, %scan3A_119 : i32
        %mul3A_121 = arith.constant 16 : i32
        %mul3A_122 = arith.muli %scan3A_120, %mul3A_121 : i32
        %get3A_123 = arith.index_cast %mul3A_122 : i32 to index
        %get3A_124 = tpu.vector_load %arg4[%get3A_123] {strides = array<i32>} : memref<1024xf32, #tpu.memory_space<vmem>>, vector<16xf32>,
        %mul3A_125 = arith.constant 16 : i32
        %mul3A_126 = arith.muli %scan3A_120, %mul3A_125 : i32
        %add3A_127 = vector.broadcast %mul3A_126 : i32 to vector<16xi32>
        %add3A_128 = arith.addi %iota3A, %add3A_127 : vector<16xi32>
        %gt3A_129 = arith.cmpf ogt, %get3A_124, %select_n3A_117 : vector<16xf32>
        %select_n3A_130 = arith.select %gt3A_129, %get3A_124, %select_n3A_117 : vector<16xi1>, vector<16xf32>
        %select_n3A_131 = arith.select %gt3A_129, %add3A_128, %select_n3A_118 : vector<16xi1>, vector<16xi32>
        %scan3A_132 = arith.constant 6 : i32
        %scan3A_133 = arith.addi %scan3A_55, %scan3A_132 : i32
        %mul3A_134 = arith.constant 16 : i32
        %mul3A_135 = arith.muli %scan3A_133, %mul3A_134 : i32
        %get3A_136 = arith.index_cast %mul3A_135 : i32 to index
        %get3A_137 = tpu.vector_load %arg4[%get3A_136] {strides = array<i32>} : memref<1024xf32, #tpu.memory_space<vmem>>, vector<16xf32>,
        %mul3A_138 = arith.constant 16 : i32
        %mul3A_139 = arith.muli %scan3A_133, %mul3A_138 : i32
        %add3A_140 = vector.broadcast %mul3A_139 : i32 to vector<16xi32>
        %add3A_141 = arith.addi %iota3A, %add3A_140 : vector<16xi32>
        %gt3A_142 = arith.cmpf ogt, %get3A_137, %select_n3A_130 : vector<16xf32>
        %select_n3A_143 = arith.select %gt3A_142, %get3A_137, %select_n3A_130 : vector<16xi1>, vector<16xf32>
        %select_n3A_144 = arith.select %gt3A_142, %add3A_141, %select_n3A_131 : vector<16xi1>, vector<16xi32>
        %scan3A_145 = arith.constant 7 : i32
        %scan3A_146 = arith.addi %scan3A_55, %scan3A_145 : i32
        %mul3A_147 = arith.constant 16 : i32
        %mul3A_148 = arith.muli %scan3A_146, %mul3A_147 : i32
        %get3A_149 = arith.index_cast %mul3A_148 : i32 to index
        %get3A_150 = tpu.vector_load %arg4[%get3A_149] {strides = array<i32>} : memref<1024xf32, #tpu.memory_space<vmem>>, vector<16xf32>,
        %mul3A_151 = arith.constant 16 : i32
        %mul3A_152 = arith.muli %scan3A_146, %mul3A_151 : i32
        %add3A_153 = vector.broadcast %mul3A_152 : i32 to vector<16xi32>
        %add3A_154 = arith.addi %iota3A, %add3A_153 : vector<16xi32>
        %gt3A_155 = arith.cmpf ogt, %get3A_150, %select_n3A_143 : vector<16xf32>
        %select_n3A_156 = arith.select %gt3A_155, %get3A_150, %select_n3A_143 : vector<16xi1>, vector<16xf32>
        %select_n3A_157 = arith.select %gt3A_155, %add3A_154, %select_n3A_144 : vector<16xi1>, vector<16xi32>
        scf.yield %select_n3A_156, %select_n3A_157 : vector<16xf32>, vector<16xi32>
      }
      %scan3A_34 = arith.constant 64 : i32
      %reduce_max3A = arith.constant true
      %reduce_max3A_35 = vector.broadcast %reduce_max3A : i1 to vector<16xi1>
      %reduce_max3A_36 = tpu.scan <max>, %scan3A_33#0 masked %reduce_max3A_35 : vector<16xf32>, vector<16xi1> -> vector<16xf32>
      %reduce_max3A_37 = vector.extract %reduce_max3A_36[15] : f32 from vector<16xf32>
      %eq3A_38 = vector.broadcast %reduce_max3A_37 : f32 to vector<16xf32>
      %eq3A_39 = arith.cmpf oeq, %scan3A_33#0, %eq3A_38 : vector<16xf32>
      %jit3A_40 = arith.constant 1073741824 : i32
      %broadcast_in_dim3A_41 = vector.broadcast %jit3A_40 : i32 to vector<16xi32>
      %select_n3A_42 = arith.select %eq3A_39, %scan3A_33#1, %broadcast_in_dim3A_41 : vector<16xi1>, vector<16xi32>
      %reduce_min3A = arith.constant true
      %reduce_min3A_43 = vector.broadcast %reduce_min3A : i1 to vector<16xi1>
      %reduce_min3A_44 = arith.constant -2147483648 : i32
      %reduce_min3A_45 = vector.broadcast %reduce_min3A_44 : i32 to vector<16xi32>
      %reduce_min3A_46 = arith.xori %select_n3A_42, %reduce_min3A_45 : vector<16xi32>
      %reduce_min3A_47 = tpu.scan <min>, %reduce_min3A_46 masked %reduce_min3A_43 : vector<16xi32>, vector<16xi1> -> vector<16xi32>
      %reduce_min3A_48 = arith.xori %reduce_min3A_47, %reduce_min3A_45 : vector<16xi32>
      %reduce_min3A_49 = vector.extract %reduce_min3A_48[15] : i32 from vector<16xi32>
      %broadcast_in_dim3A_50 = vector.broadcast %reduce_min3A_49 : i32 to vector<16xi32>
      %broadcast_in_dim3A_51 = arith.constant 1.000000e+00 : f32
      %broadcast_in_dim3A_52 = vector.broadcast %broadcast_in_dim3A_51 : f32 to vector<16xf32>
      tpu.vector_store_idx %arg5[%broadcast_in_dim3A_50], %broadcast_in_dim3A_52 masked %eq3A_1 : memref<1024xf32, #tpu.memory_space<vmem>>[vector<16xi32>], vector<16xf32>, vector<16xi1>
      %broadcast_in_dim3A_53 = arith.constant 0xFF800000 : f32
      %broadcast_in_dim3A_54 = vector.broadcast %broadcast_in_dim3A_53 : f32 to vector<16xf32>
      tpu.vector_store_idx %arg4[%broadcast_in_dim3A_50], %broadcast_in_dim3A_54 masked %eq3A_1 : memref<1024xf32, #tpu.memory_space<vmem>>[vector<16xi32>], vector<16xf32>, vector<16xi1>
    }
    %scan3A_21 = arith.constant 25 : i32
    %mul3A_22 = arith.constant 1024 : i32
    %mul3A_23 = arith.muli %arg1, %mul3A_22 : i32
    "tpu.region"() ({
      %run_scoped3A = tpu.sem_alloc : memref<!tpu.dma_semaphore, #tpu.memory_space<semaphore_mem>>
      %dma_start3A = tpu.memref_slice %arg3[%mul3A_23] : memref<16384xf32, #tpu.memory_space<hbm>> -> memref<1024xf32, #tpu.memory_space<hbm>>
      %dma_start3A_24 = tpu.memref_slice %arg3[%mul3A_23] : memref<16384xf32, #tpu.memory_space<hbm>> -> memref<1024xf32, #tpu.memory_space<hbm>>
      tpu.enqueue_dma source(%arg5 : memref<1024xf32, #tpu.memory_space<vmem>>) target(%dma_start3A_24 : memref<1024xf32, #tpu.memory_space<hbm>>) target_semaphore(%run_scoped3A : memref<!tpu.dma_semaphore, #tpu.memory_space<semaphore_mem>>)
      %dma_wait3A = tpu.memref_slice %arg3[%mul3A_23] : memref<16384xf32, #tpu.memory_space<hbm>> -> memref<1024xf32, #tpu.memory_space<hbm>>
      %dma_wait3A_25 = tpu.memref_slice %arg3[%mul3A_23] : memref<16384xf32, #tpu.memory_space<hbm>> -> memref<1024xf32, #tpu.memory_space<hbm>>
      tpu.wait_dma2 semaphore(%run_scoped3A : memref<!tpu.dma_semaphore, #tpu.memory_space<semaphore_mem>>) src(%arg5 : memref<1024xf32, #tpu.memory_space<vmem>>) dst(%dma_wait3A_25 : memref<1024xf32, #tpu.memory_space<hbm>>)
      tpu.yield
    }) : () -> ()
    return
  }
}

module attributes {stable_mosaic.version = 14 : i64} {
  func.func @body(%arg0: memref<16x576x1000xf32, #tpu.memory_space<any>>, %arg1: memref<16x1x24x24xf32, #tpu.memory_space<vmem>>, %arg2: memref<128x128xf32, #tpu.memory_space<vmem>>, %arg3: memref<1x1xf32, #tpu.memory_space<vmem>>, %arg4: memref<8x1x576x1000xf32, #tpu.memory_space<vmem>>, %arg5: memref<8x!tpu.dma_semaphore, #tpu.memory_space<semaphore_mem>>) attributes {dimension_semantics = [], scalar_prefetch = 0 : i64, scratch_operands = 2 : i64, tpu.core_type = #tpu.core_type<tc>} {
    %get3A = arith.constant 0 : index
    %get3A_0 = arith.constant 0 : index
    %get3A_1 = arith.constant 0 : index
    %get3A_2 = arith.constant 0 : index
    %get3A_3 = vector.load %arg1[%get3A, %get3A_0, %get3A_1, %get3A_2] : memref<16x1x24x24xf32, #tpu.memory_space<vmem>>, vector<16x1x24x24xf32>
    %reduce_sum3A = vector.shape_cast %get3A_3 : vector<16x1x24x24xf32> to vector<1x16x1x24x24xf32>
    %reduce_sum3A_4 = arith.constant dense<0.000000e+00> : vector<1xf32>
    %reduce_sum3A_5 = vector.multi_reduction <add>, %reduce_sum3A, %reduce_sum3A_4 [1, 2, 3, 4] : vector<1x16x1x24x24xf32> to vector<1xf32>
    %reduce_sum3A_6 = vector.shape_cast %reduce_sum3A_5 : vector<1xf32> to vector<1x1x1x1x1xf32>
    %reduce_sum3A_7 = vector.extract %reduce_sum3A_6[0, 0, 0, 0, 0] : f32 from vector<1x1x1x1x1xf32>
    %reshape3A = vector.broadcast %reduce_sum3A_7 : f32 to vector<1x1xf32>
    %swap3A = arith.constant 0 : index
    %swap3A_8 = arith.constant 0 : index
    %swap3A_9 = vector.load %arg3[%swap3A, %swap3A_8] : memref<1x1xf32, #tpu.memory_space<vmem>>, vector<1x1xf32>
    tpu.vector_store %arg3[%swap3A, %swap3A_8], %reshape3A {strides = array<i32>} : memref<1x1xf32, #tpu.memory_space<vmem>>, vector<1x1xf32>,
    %dma_start3A = arith.constant 0 : i32
    %dma_start3A_10 = arith.constant 0 : i32
    %dma_start3A_11 = tpu.memref_slice %arg5[%dma_start3A_10] : memref<8x!tpu.dma_semaphore, #tpu.memory_space<semaphore_mem>> -> memref<1x!tpu.dma_semaphore, #tpu.memory_space<semaphore_mem>>
    %dma_start3A_12 = tpu.memref_squeeze %dma_start3A_11 : memref<1x!tpu.dma_semaphore, #tpu.memory_space<semaphore_mem>> -> memref<!tpu.dma_semaphore, #tpu.memory_space<semaphore_mem>>
    %dma_start3A_13 = arith.constant 0 : i32
    %dma_start3A_14 = arith.constant 0 : i32
    %dma_start3A_15 = arith.constant 0 : i32
    %dma_start3A_16 = tpu.memref_slice %arg4[%dma_start3A, %dma_start3A_13, %dma_start3A_14, %dma_start3A_15] : memref<8x1x576x1000xf32, #tpu.memory_space<vmem>> -> memref<1x1x576x1000xf32, #tpu.memory_space<vmem>>
    %dma_start3A_17 = tpu.memref_squeeze %dma_start3A_16 : memref<1x1x576x1000xf32, #tpu.memory_space<vmem>> -> memref<1x576x1000xf32, #tpu.memory_space<vmem>>
    %dma_start3A_18 = arith.constant 0 : i32
    %dma_start3A_19 = arith.constant 0 : i32
    %dma_start3A_20 = arith.constant 0 : i32
    %dma_start3A_21 = tpu.memref_slice %arg0[%dma_start3A_18, %dma_start3A_19, %dma_start3A_20] : memref<16x576x1000xf32, #tpu.memory_space<any>> -> memref<1x576x1000xf32, #tpu.memory_space<any>>
    tpu.enqueue_dma source(%dma_start3A_21 : memref<1x576x1000xf32, #tpu.memory_space<any>>) target(%dma_start3A_17 : memref<1x576x1000xf32, #tpu.memory_space<vmem>>) target_semaphore(%dma_start3A_12 : memref<!tpu.dma_semaphore, #tpu.memory_space<semaphore_mem>>)
    %dma_start3A_22 = arith.constant 1 : i32
    %dma_start3A_23 = arith.constant 1 : i32
    %dma_start3A_24 = tpu.memref_slice %arg5[%dma_start3A_23] : memref<8x!tpu.dma_semaphore, #tpu.memory_space<semaphore_mem>> -> memref<1x!tpu.dma_semaphore, #tpu.memory_space<semaphore_mem>>
    %dma_start3A_25 = tpu.memref_squeeze %dma_start3A_24 : memref<1x!tpu.dma_semaphore, #tpu.memory_space<semaphore_mem>> -> memref<!tpu.dma_semaphore, #tpu.memory_space<semaphore_mem>>
    %dma_start3A_26 = arith.constant 0 : i32
    %dma_start3A_27 = arith.constant 0 : i32
    %dma_start3A_28 = arith.constant 0 : i32
    %dma_start3A_29 = tpu.memref_slice %arg4[%dma_start3A_22, %dma_start3A_26, %dma_start3A_27, %dma_start3A_28] : memref<8x1x576x1000xf32, #tpu.memory_space<vmem>> -> memref<1x1x576x1000xf32, #tpu.memory_space<vmem>>
    %dma_start3A_30 = tpu.memref_squeeze %dma_start3A_29 : memref<1x1x576x1000xf32, #tpu.memory_space<vmem>> -> memref<1x576x1000xf32, #tpu.memory_space<vmem>>
    %dma_start3A_31 = arith.constant 1 : i32
    %dma_start3A_32 = arith.constant 0 : i32
    %dma_start3A_33 = arith.constant 0 : i32
    %dma_start3A_34 = tpu.memref_slice %arg0[%dma_start3A_31, %dma_start3A_32, %dma_start3A_33] : memref<16x576x1000xf32, #tpu.memory_space<any>> -> memref<1x576x1000xf32, #tpu.memory_space<any>>
    tpu.enqueue_dma source(%dma_start3A_34 : memref<1x576x1000xf32, #tpu.memory_space<any>>) target(%dma_start3A_30 : memref<1x576x1000xf32, #tpu.memory_space<vmem>>) target_semaphore(%dma_start3A_25 : memref<!tpu.dma_semaphore, #tpu.memory_space<semaphore_mem>>)
    %dma_start3A_35 = arith.constant 2 : i32
    %dma_start3A_36 = arith.constant 2 : i32
    %dma_start3A_37 = tpu.memref_slice %arg5[%dma_start3A_36] : memref<8x!tpu.dma_semaphore, #tpu.memory_space<semaphore_mem>> -> memref<1x!tpu.dma_semaphore, #tpu.memory_space<semaphore_mem>>
    %dma_start3A_38 = tpu.memref_squeeze %dma_start3A_37 : memref<1x!tpu.dma_semaphore, #tpu.memory_space<semaphore_mem>> -> memref<!tpu.dma_semaphore, #tpu.memory_space<semaphore_mem>>
    %dma_start3A_39 = arith.constant 0 : i32
    %dma_start3A_40 = arith.constant 0 : i32
    %dma_start3A_41 = arith.constant 0 : i32
    %dma_start3A_42 = tpu.memref_slice %arg4[%dma_start3A_35, %dma_start3A_39, %dma_start3A_40, %dma_start3A_41] : memref<8x1x576x1000xf32, #tpu.memory_space<vmem>> -> memref<1x1x576x1000xf32, #tpu.memory_space<vmem>>
    %dma_start3A_43 = tpu.memref_squeeze %dma_start3A_42 : memref<1x1x576x1000xf32, #tpu.memory_space<vmem>> -> memref<1x576x1000xf32, #tpu.memory_space<vmem>>
    %dma_start3A_44 = arith.constant 2 : i32
    %dma_start3A_45 = arith.constant 0 : i32
    %dma_start3A_46 = arith.constant 0 : i32
    %dma_start3A_47 = tpu.memref_slice %arg0[%dma_start3A_44, %dma_start3A_45, %dma_start3A_46] : memref<16x576x1000xf32, #tpu.memory_space<any>> -> memref<1x576x1000xf32, #tpu.memory_space<any>>
    tpu.enqueue_dma source(%dma_start3A_47 : memref<1x576x1000xf32, #tpu.memory_space<any>>) target(%dma_start3A_43 : memref<1x576x1000xf32, #tpu.memory_space<vmem>>) target_semaphore(%dma_start3A_38 : memref<!tpu.dma_semaphore, #tpu.memory_space<semaphore_mem>>)
    %dma_start3A_48 = arith.constant 3 : i32
    %dma_start3A_49 = arith.constant 3 : i32
    %dma_start3A_50 = tpu.memref_slice %arg5[%dma_start3A_49] : memref<8x!tpu.dma_semaphore, #tpu.memory_space<semaphore_mem>> -> memref<1x!tpu.dma_semaphore, #tpu.memory_space<semaphore_mem>>
    %dma_start3A_51 = tpu.memref_squeeze %dma_start3A_50 : memref<1x!tpu.dma_semaphore, #tpu.memory_space<semaphore_mem>> -> memref<!tpu.dma_semaphore, #tpu.memory_space<semaphore_mem>>
    %dma_start3A_52 = arith.constant 0 : i32
    %dma_start3A_53 = arith.constant 0 : i32
    %dma_start3A_54 = arith.constant 0 : i32
    %dma_start3A_55 = tpu.memref_slice %arg4[%dma_start3A_48, %dma_start3A_52, %dma_start3A_53, %dma_start3A_54] : memref<8x1x576x1000xf32, #tpu.memory_space<vmem>> -> memref<1x1x576x1000xf32, #tpu.memory_space<vmem>>
    %dma_start3A_56 = tpu.memref_squeeze %dma_start3A_55 : memref<1x1x576x1000xf32, #tpu.memory_space<vmem>> -> memref<1x576x1000xf32, #tpu.memory_space<vmem>>
    %dma_start3A_57 = arith.constant 3 : i32
    %dma_start3A_58 = arith.constant 0 : i32
    %dma_start3A_59 = arith.constant 0 : i32
    %dma_start3A_60 = tpu.memref_slice %arg0[%dma_start3A_57, %dma_start3A_58, %dma_start3A_59] : memref<16x576x1000xf32, #tpu.memory_space<any>> -> memref<1x576x1000xf32, #tpu.memory_space<any>>
    tpu.enqueue_dma source(%dma_start3A_60 : memref<1x576x1000xf32, #tpu.memory_space<any>>) target(%dma_start3A_56 : memref<1x576x1000xf32, #tpu.memory_space<vmem>>) target_semaphore(%dma_start3A_51 : memref<!tpu.dma_semaphore, #tpu.memory_space<semaphore_mem>>)
    %dma_start3A_61 = arith.constant 4 : i32
    %dma_start3A_62 = arith.constant 4 : i32
    %dma_start3A_63 = tpu.memref_slice %arg5[%dma_start3A_62] : memref<8x!tpu.dma_semaphore, #tpu.memory_space<semaphore_mem>> -> memref<1x!tpu.dma_semaphore, #tpu.memory_space<semaphore_mem>>
    %dma_start3A_64 = tpu.memref_squeeze %dma_start3A_63 : memref<1x!tpu.dma_semaphore, #tpu.memory_space<semaphore_mem>> -> memref<!tpu.dma_semaphore, #tpu.memory_space<semaphore_mem>>
    %dma_start3A_65 = arith.constant 0 : i32
    %dma_start3A_66 = arith.constant 0 : i32
    %dma_start3A_67 = arith.constant 0 : i32
    %dma_start3A_68 = tpu.memref_slice %arg4[%dma_start3A_61, %dma_start3A_65, %dma_start3A_66, %dma_start3A_67] : memref<8x1x576x1000xf32, #tpu.memory_space<vmem>> -> memref<1x1x576x1000xf32, #tpu.memory_space<vmem>>
    %dma_start3A_69 = tpu.memref_squeeze %dma_start3A_68 : memref<1x1x576x1000xf32, #tpu.memory_space<vmem>> -> memref<1x576x1000xf32, #tpu.memory_space<vmem>>
    %dma_start3A_70 = arith.constant 4 : i32
    %dma_start3A_71 = arith.constant 0 : i32
    %dma_start3A_72 = arith.constant 0 : i32
    %dma_start3A_73 = tpu.memref_slice %arg0[%dma_start3A_70, %dma_start3A_71, %dma_start3A_72] : memref<16x576x1000xf32, #tpu.memory_space<any>> -> memref<1x576x1000xf32, #tpu.memory_space<any>>
    tpu.enqueue_dma source(%dma_start3A_73 : memref<1x576x1000xf32, #tpu.memory_space<any>>) target(%dma_start3A_69 : memref<1x576x1000xf32, #tpu.memory_space<vmem>>) target_semaphore(%dma_start3A_64 : memref<!tpu.dma_semaphore, #tpu.memory_space<semaphore_mem>>)
    %dma_start3A_74 = arith.constant 5 : i32
    %dma_start3A_75 = arith.constant 5 : i32
    %dma_start3A_76 = tpu.memref_slice %arg5[%dma_start3A_75] : memref<8x!tpu.dma_semaphore, #tpu.memory_space<semaphore_mem>> -> memref<1x!tpu.dma_semaphore, #tpu.memory_space<semaphore_mem>>
    %dma_start3A_77 = tpu.memref_squeeze %dma_start3A_76 : memref<1x!tpu.dma_semaphore, #tpu.memory_space<semaphore_mem>> -> memref<!tpu.dma_semaphore, #tpu.memory_space<semaphore_mem>>
    %dma_start3A_78 = arith.constant 0 : i32
    %dma_start3A_79 = arith.constant 0 : i32
    %dma_start3A_80 = arith.constant 0 : i32
    %dma_start3A_81 = tpu.memref_slice %arg4[%dma_start3A_74, %dma_start3A_78, %dma_start3A_79, %dma_start3A_80] : memref<8x1x576x1000xf32, #tpu.memory_space<vmem>> -> memref<1x1x576x1000xf32, #tpu.memory_space<vmem>>
    %dma_start3A_82 = tpu.memref_squeeze %dma_start3A_81 : memref<1x1x576x1000xf32, #tpu.memory_space<vmem>> -> memref<1x576x1000xf32, #tpu.memory_space<vmem>>
    %dma_start3A_83 = arith.constant 5 : i32
    %dma_start3A_84 = arith.constant 0 : i32
    %dma_start3A_85 = arith.constant 0 : i32
    %dma_start3A_86 = tpu.memref_slice %arg0[%dma_start3A_83, %dma_start3A_84, %dma_start3A_85] : memref<16x576x1000xf32, #tpu.memory_space<any>> -> memref<1x576x1000xf32, #tpu.memory_space<any>>
    tpu.enqueue_dma source(%dma_start3A_86 : memref<1x576x1000xf32, #tpu.memory_space<any>>) target(%dma_start3A_82 : memref<1x576x1000xf32, #tpu.memory_space<vmem>>) target_semaphore(%dma_start3A_77 : memref<!tpu.dma_semaphore, #tpu.memory_space<semaphore_mem>>)
    %dma_start3A_87 = arith.constant 6 : i32
    %dma_start3A_88 = arith.constant 6 : i32
    %dma_start3A_89 = tpu.memref_slice %arg5[%dma_start3A_88] : memref<8x!tpu.dma_semaphore, #tpu.memory_space<semaphore_mem>> -> memref<1x!tpu.dma_semaphore, #tpu.memory_space<semaphore_mem>>
    %dma_start3A_90 = tpu.memref_squeeze %dma_start3A_89 : memref<1x!tpu.dma_semaphore, #tpu.memory_space<semaphore_mem>> -> memref<!tpu.dma_semaphore, #tpu.memory_space<semaphore_mem>>
    %dma_start3A_91 = arith.constant 0 : i32
    %dma_start3A_92 = arith.constant 0 : i32
    %dma_start3A_93 = arith.constant 0 : i32
    %dma_start3A_94 = tpu.memref_slice %arg4[%dma_start3A_87, %dma_start3A_91, %dma_start3A_92, %dma_start3A_93] : memref<8x1x576x1000xf32, #tpu.memory_space<vmem>> -> memref<1x1x576x1000xf32, #tpu.memory_space<vmem>>
    %dma_start3A_95 = tpu.memref_squeeze %dma_start3A_94 : memref<1x1x576x1000xf32, #tpu.memory_space<vmem>> -> memref<1x576x1000xf32, #tpu.memory_space<vmem>>
    %dma_start3A_96 = arith.constant 6 : i32
    %dma_start3A_97 = arith.constant 0 : i32
    %dma_start3A_98 = arith.constant 0 : i32
    %dma_start3A_99 = tpu.memref_slice %arg0[%dma_start3A_96, %dma_start3A_97, %dma_start3A_98] : memref<16x576x1000xf32, #tpu.memory_space<any>> -> memref<1x576x1000xf32, #tpu.memory_space<any>>
    tpu.enqueue_dma source(%dma_start3A_99 : memref<1x576x1000xf32, #tpu.memory_space<any>>) target(%dma_start3A_95 : memref<1x576x1000xf32, #tpu.memory_space<vmem>>) target_semaphore(%dma_start3A_90 : memref<!tpu.dma_semaphore, #tpu.memory_space<semaphore_mem>>)
    %dma_start3A_100 = arith.constant 7 : i32
    %dma_start3A_101 = arith.constant 7 : i32
    %dma_start3A_102 = tpu.memref_slice %arg5[%dma_start3A_101] : memref<8x!tpu.dma_semaphore, #tpu.memory_space<semaphore_mem>> -> memref<1x!tpu.dma_semaphore, #tpu.memory_space<semaphore_mem>>
    %dma_start3A_103 = tpu.memref_squeeze %dma_start3A_102 : memref<1x!tpu.dma_semaphore, #tpu.memory_space<semaphore_mem>> -> memref<!tpu.dma_semaphore, #tpu.memory_space<semaphore_mem>>
    %dma_start3A_104 = arith.constant 0 : i32
    %dma_start3A_105 = arith.constant 0 : i32
    %dma_start3A_106 = arith.constant 0 : i32
    %dma_start3A_107 = tpu.memref_slice %arg4[%dma_start3A_100, %dma_start3A_104, %dma_start3A_105, %dma_start3A_106] : memref<8x1x576x1000xf32, #tpu.memory_space<vmem>> -> memref<1x1x576x1000xf32, #tpu.memory_space<vmem>>
    %dma_start3A_108 = tpu.memref_squeeze %dma_start3A_107 : memref<1x1x576x1000xf32, #tpu.memory_space<vmem>> -> memref<1x576x1000xf32, #tpu.memory_space<vmem>>
    %dma_start3A_109 = arith.constant 7 : i32
    %dma_start3A_110 = arith.constant 0 : i32
    %dma_start3A_111 = arith.constant 0 : i32
    %dma_start3A_112 = tpu.memref_slice %arg0[%dma_start3A_109, %dma_start3A_110, %dma_start3A_111] : memref<16x576x1000xf32, #tpu.memory_space<any>> -> memref<1x576x1000xf32, #tpu.memory_space<any>>
    tpu.enqueue_dma source(%dma_start3A_112 : memref<1x576x1000xf32, #tpu.memory_space<any>>) target(%dma_start3A_108 : memref<1x576x1000xf32, #tpu.memory_space<vmem>>) target_semaphore(%dma_start3A_103 : memref<!tpu.dma_semaphore, #tpu.memory_space<semaphore_mem>>)
    %dma_wait3A = arith.constant 0 : i32
    %dma_wait3A_113 = arith.constant 0 : i32
    %dma_wait3A_114 = tpu.memref_slice %arg5[%dma_wait3A_113] : memref<8x!tpu.dma_semaphore, #tpu.memory_space<semaphore_mem>> -> memref<1x!tpu.dma_semaphore, #tpu.memory_space<semaphore_mem>>
    %dma_wait3A_115 = tpu.memref_squeeze %dma_wait3A_114 : memref<1x!tpu.dma_semaphore, #tpu.memory_space<semaphore_mem>> -> memref<!tpu.dma_semaphore, #tpu.memory_space<semaphore_mem>>
    %dma_wait3A_116 = arith.constant 0 : i32
    %dma_wait3A_117 = arith.constant 0 : i32
    %dma_wait3A_118 = arith.constant 0 : i32
    %dma_wait3A_119 = tpu.memref_slice %arg4[%dma_wait3A, %dma_wait3A_116, %dma_wait3A_117, %dma_wait3A_118] : memref<8x1x576x1000xf32, #tpu.memory_space<vmem>> -> memref<1x1x576x1000xf32, #tpu.memory_space<vmem>>
    %dma_wait3A_120 = tpu.memref_squeeze %dma_wait3A_119 : memref<1x1x576x1000xf32, #tpu.memory_space<vmem>> -> memref<1x576x1000xf32, #tpu.memory_space<vmem>>
    %dma_wait3A_121 = arith.constant 0 : i32
    %dma_wait3A_122 = arith.constant 0 : i32
    %dma_wait3A_123 = arith.constant 0 : i32
    %dma_wait3A_124 = tpu.memref_slice %arg0[%dma_wait3A_121, %dma_wait3A_122, %dma_wait3A_123] : memref<16x576x1000xf32, #tpu.memory_space<any>> -> memref<1x576x1000xf32, #tpu.memory_space<any>>
    tpu.wait_dma2 semaphore(%dma_wait3A_115 : memref<!tpu.dma_semaphore, #tpu.memory_space<semaphore_mem>>) src(%dma_wait3A_124 : memref<1x576x1000xf32, #tpu.memory_space<any>>) dst(%dma_wait3A_120 : memref<1x576x1000xf32, #tpu.memory_space<vmem>>)
    %get3A_125 = arith.constant 0 : index
    %get3A_126 = arith.constant 0 : index
    %get3A_127 = arith.constant 0 : index
    %get3A_128 = arith.constant 0 : index
    %get3A_129 = vector.load %arg4[%get3A_125, %get3A_126, %get3A_127, %get3A_128] : memref<8x1x576x1000xf32, #tpu.memory_space<vmem>>, vector<1x1x576x1000xf32>
    %get3A_130 = vector.shape_cast %get3A_129 : vector<1x1x576x1000xf32> to vector<1x576x1000xf32>
    %reduce_sum3A_131 = arith.constant dense<0.000000e+00> : vector<1000xf32>
    %reduce_sum3A_132 = vector.multi_reduction <add>, %get3A_130, %reduce_sum3A_131 [0, 1] : vector<1x576x1000xf32> to vector<1000xf32>
    %jit3A = arith.constant 0 : i32
    %convert_element_type3A = arith.sitofp %jit3A : i32 to f32
    %pad3A = vector.broadcast %convert_element_type3A : f32 to vector<24xf32>
    %pad3A_133 = tpu.concatenate %reduce_sum3A_132, %pad3A in 0 : vector<1000xf32>, vector<24xf32> -> vector<1024xf32>
    %reshape3A_134 = vector.shape_cast %pad3A_133 : vector<1024xf32> to vector<8x128xf32>
    %swap3A_135 = arith.constant 0 : index
    %swap3A_136 = arith.constant 0 : index
    %swap3A_137 = vector.load %arg2[%swap3A_135, %swap3A_136] : memref<128x128xf32, #tpu.memory_space<vmem>>, vector<8x128xf32>
    tpu.vector_store %arg2[%swap3A_135, %swap3A_136], %reshape3A_134 {strides = array<i32>} : memref<128x128xf32, #tpu.memory_space<vmem>>, vector<8x128xf32>,
    %dma_start3A_138 = arith.constant 0 : i32
    %dma_start3A_139 = arith.constant 0 : i32
    %dma_start3A_140 = tpu.memref_slice %arg5[%dma_start3A_139] : memref<8x!tpu.dma_semaphore, #tpu.memory_space<semaphore_mem>> -> memref<1x!tpu.dma_semaphore, #tpu.memory_space<semaphore_mem>>
    %dma_start3A_141 = tpu.memref_squeeze %dma_start3A_140 : memref<1x!tpu.dma_semaphore, #tpu.memory_space<semaphore_mem>> -> memref<!tpu.dma_semaphore, #tpu.memory_space<semaphore_mem>>
    %dma_start3A_142 = arith.constant 0 : i32
    %dma_start3A_143 = arith.constant 0 : i32
    %dma_start3A_144 = arith.constant 0 : i32
    %dma_start3A_145 = tpu.memref_slice %arg4[%dma_start3A_138, %dma_start3A_142, %dma_start3A_143, %dma_start3A_144] : memref<8x1x576x1000xf32, #tpu.memory_space<vmem>> -> memref<1x1x576x1000xf32, #tpu.memory_space<vmem>>
    %dma_start3A_146 = tpu.memref_squeeze %dma_start3A_145 : memref<1x1x576x1000xf32, #tpu.memory_space<vmem>> -> memref<1x576x1000xf32, #tpu.memory_space<vmem>>
    %dma_start3A_147 = arith.constant 8 : i32
    %dma_start3A_148 = arith.constant 0 : i32
    %dma_start3A_149 = arith.constant 0 : i32
    %dma_start3A_150 = tpu.memref_slice %arg0[%dma_start3A_147, %dma_start3A_148, %dma_start3A_149] : memref<16x576x1000xf32, #tpu.memory_space<any>> -> memref<1x576x1000xf32, #tpu.memory_space<any>>
    tpu.enqueue_dma source(%dma_start3A_150 : memref<1x576x1000xf32, #tpu.memory_space<any>>) target(%dma_start3A_146 : memref<1x576x1000xf32, #tpu.memory_space<vmem>>) target_semaphore(%dma_start3A_141 : memref<!tpu.dma_semaphore, #tpu.memory_space<semaphore_mem>>)
    %dma_wait3A_151 = arith.constant 1 : i32
    %dma_wait3A_152 = arith.constant 1 : i32
    %dma_wait3A_153 = tpu.memref_slice %arg5[%dma_wait3A_152] : memref<8x!tpu.dma_semaphore, #tpu.memory_space<semaphore_mem>> -> memref<1x!tpu.dma_semaphore, #tpu.memory_space<semaphore_mem>>
    %dma_wait3A_154 = tpu.memref_squeeze %dma_wait3A_153 : memref<1x!tpu.dma_semaphore, #tpu.memory_space<semaphore_mem>> -> memref<!tpu.dma_semaphore, #tpu.memory_space<semaphore_mem>>
    %dma_wait3A_155 = arith.constant 0 : i32
    %dma_wait3A_156 = arith.constant 0 : i32
    %dma_wait3A_157 = arith.constant 0 : i32
    %dma_wait3A_158 = tpu.memref_slice %arg4[%dma_wait3A_151, %dma_wait3A_155, %dma_wait3A_156, %dma_wait3A_157] : memref<8x1x576x1000xf32, #tpu.memory_space<vmem>> -> memref<1x1x576x1000xf32, #tpu.memory_space<vmem>>
    %dma_wait3A_159 = tpu.memref_squeeze %dma_wait3A_158 : memref<1x1x576x1000xf32, #tpu.memory_space<vmem>> -> memref<1x576x1000xf32, #tpu.memory_space<vmem>>
    %dma_wait3A_160 = arith.constant 1 : i32
    %dma_wait3A_161 = arith.constant 0 : i32
    %dma_wait3A_162 = arith.constant 0 : i32
    %dma_wait3A_163 = tpu.memref_slice %arg0[%dma_wait3A_160, %dma_wait3A_161, %dma_wait3A_162] : memref<16x576x1000xf32, #tpu.memory_space<any>> -> memref<1x576x1000xf32, #tpu.memory_space<any>>
    tpu.wait_dma2 semaphore(%dma_wait3A_154 : memref<!tpu.dma_semaphore, #tpu.memory_space<semaphore_mem>>) src(%dma_wait3A_163 : memref<1x576x1000xf32, #tpu.memory_space<any>>) dst(%dma_wait3A_159 : memref<1x576x1000xf32, #tpu.memory_space<vmem>>)
    %get3A_164 = arith.constant 1 : index
    %get3A_165 = arith.constant 0 : index
    %get3A_166 = arith.constant 0 : index
    %get3A_167 = arith.constant 0 : index
    %get3A_168 = vector.load %arg4[%get3A_164, %get3A_165, %get3A_166, %get3A_167] : memref<8x1x576x1000xf32, #tpu.memory_space<vmem>>, vector<1x1x576x1000xf32>
    %get3A_169 = vector.shape_cast %get3A_168 : vector<1x1x576x1000xf32> to vector<1x576x1000xf32>
    %reduce_sum3A_170 = arith.constant dense<0.000000e+00> : vector<1000xf32>
    %reduce_sum3A_171 = vector.multi_reduction <add>, %get3A_169, %reduce_sum3A_170 [0, 1] : vector<1x576x1000xf32> to vector<1000xf32>
    %jit3A_172 = arith.constant 0 : i32
    %convert_element_type3A_173 = arith.sitofp %jit3A_172 : i32 to f32
    %pad3A_174 = vector.broadcast %convert_element_type3A_173 : f32 to vector<24xf32>
    %pad3A_175 = tpu.concatenate %reduce_sum3A_171, %pad3A_174 in 0 : vector<1000xf32>, vector<24xf32> -> vector<1024xf32>
    %reshape3A_176 = vector.shape_cast %pad3A_175 : vector<1024xf32> to vector<8x128xf32>
    %swap3A_177 = arith.constant 8 : index
    %swap3A_178 = arith.constant 0 : index
    %swap3A_179 = vector.load %arg2[%swap3A_177, %swap3A_178] : memref<128x128xf32, #tpu.memory_space<vmem>>, vector<8x128xf32>
    tpu.vector_store %arg2[%swap3A_177, %swap3A_178], %reshape3A_176 {strides = array<i32>} : memref<128x128xf32, #tpu.memory_space<vmem>>, vector<8x128xf32>,
    %dma_start3A_180 = arith.constant 1 : i32
    %dma_start3A_181 = arith.constant 1 : i32
    %dma_start3A_182 = tpu.memref_slice %arg5[%dma_start3A_181] : memref<8x!tpu.dma_semaphore, #tpu.memory_space<semaphore_mem>> -> memref<1x!tpu.dma_semaphore, #tpu.memory_space<semaphore_mem>>
    %dma_start3A_183 = tpu.memref_squeeze %dma_start3A_182 : memref<1x!tpu.dma_semaphore, #tpu.memory_space<semaphore_mem>> -> memref<!tpu.dma_semaphore, #tpu.memory_space<semaphore_mem>>
    %dma_start3A_184 = arith.constant 0 : i32
    %dma_start3A_185 = arith.constant 0 : i32
    %dma_start3A_186 = arith.constant 0 : i32
    %dma_start3A_187 = tpu.memref_slice %arg4[%dma_start3A_180, %dma_start3A_184, %dma_start3A_185, %dma_start3A_186] : memref<8x1x576x1000xf32, #tpu.memory_space<vmem>> -> memref<1x1x576x1000xf32, #tpu.memory_space<vmem>>
    %dma_start3A_188 = tpu.memref_squeeze %dma_start3A_187 : memref<1x1x576x1000xf32, #tpu.memory_space<vmem>> -> memref<1x576x1000xf32, #tpu.memory_space<vmem>>
    %dma_start3A_189 = arith.constant 9 : i32
    %dma_start3A_190 = arith.constant 0 : i32
    %dma_start3A_191 = arith.constant 0 : i32
    %dma_start3A_192 = tpu.memref_slice %arg0[%dma_start3A_189, %dma_start3A_190, %dma_start3A_191] : memref<16x576x1000xf32, #tpu.memory_space<any>> -> memref<1x576x1000xf32, #tpu.memory_space<any>>
    tpu.enqueue_dma source(%dma_start3A_192 : memref<1x576x1000xf32, #tpu.memory_space<any>>) target(%dma_start3A_188 : memref<1x576x1000xf32, #tpu.memory_space<vmem>>) target_semaphore(%dma_start3A_183 : memref<!tpu.dma_semaphore, #tpu.memory_space<semaphore_mem>>)
    %dma_wait3A_193 = arith.constant 2 : i32
    %dma_wait3A_194 = arith.constant 2 : i32
    %dma_wait3A_195 = tpu.memref_slice %arg5[%dma_wait3A_194] : memref<8x!tpu.dma_semaphore, #tpu.memory_space<semaphore_mem>> -> memref<1x!tpu.dma_semaphore, #tpu.memory_space<semaphore_mem>>
    %dma_wait3A_196 = tpu.memref_squeeze %dma_wait3A_195 : memref<1x!tpu.dma_semaphore, #tpu.memory_space<semaphore_mem>> -> memref<!tpu.dma_semaphore, #tpu.memory_space<semaphore_mem>>
    %dma_wait3A_197 = arith.constant 0 : i32
    %dma_wait3A_198 = arith.constant 0 : i32
    %dma_wait3A_199 = arith.constant 0 : i32
    %dma_wait3A_200 = tpu.memref_slice %arg4[%dma_wait3A_193, %dma_wait3A_197, %dma_wait3A_198, %dma_wait3A_199] : memref<8x1x576x1000xf32, #tpu.memory_space<vmem>> -> memref<1x1x576x1000xf32, #tpu.memory_space<vmem>>
    %dma_wait3A_201 = tpu.memref_squeeze %dma_wait3A_200 : memref<1x1x576x1000xf32, #tpu.memory_space<vmem>> -> memref<1x576x1000xf32, #tpu.memory_space<vmem>>
    %dma_wait3A_202 = arith.constant 2 : i32
    %dma_wait3A_203 = arith.constant 0 : i32
    %dma_wait3A_204 = arith.constant 0 : i32
    %dma_wait3A_205 = tpu.memref_slice %arg0[%dma_wait3A_202, %dma_wait3A_203, %dma_wait3A_204] : memref<16x576x1000xf32, #tpu.memory_space<any>> -> memref<1x576x1000xf32, #tpu.memory_space<any>>
    tpu.wait_dma2 semaphore(%dma_wait3A_196 : memref<!tpu.dma_semaphore, #tpu.memory_space<semaphore_mem>>) src(%dma_wait3A_205 : memref<1x576x1000xf32, #tpu.memory_space<any>>) dst(%dma_wait3A_201 : memref<1x576x1000xf32, #tpu.memory_space<vmem>>)
    %get3A_206 = arith.constant 2 : index
    %get3A_207 = arith.constant 0 : index
    %get3A_208 = arith.constant 0 : index
    %get3A_209 = arith.constant 0 : index
    %get3A_210 = vector.load %arg4[%get3A_206, %get3A_207, %get3A_208, %get3A_209] : memref<8x1x576x1000xf32, #tpu.memory_space<vmem>>, vector<1x1x576x1000xf32>
    %get3A_211 = vector.shape_cast %get3A_210 : vector<1x1x576x1000xf32> to vector<1x576x1000xf32>
    %reduce_sum3A_212 = arith.constant dense<0.000000e+00> : vector<1000xf32>
    %reduce_sum3A_213 = vector.multi_reduction <add>, %get3A_211, %reduce_sum3A_212 [0, 1] : vector<1x576x1000xf32> to vector<1000xf32>
    %jit3A_214 = arith.constant 0 : i32
    %convert_element_type3A_215 = arith.sitofp %jit3A_214 : i32 to f32
    %pad3A_216 = vector.broadcast %convert_element_type3A_215 : f32 to vector<24xf32>
    %pad3A_217 = tpu.concatenate %reduce_sum3A_213, %pad3A_216 in 0 : vector<1000xf32>, vector<24xf32> -> vector<1024xf32>
    %reshape3A_218 = vector.shape_cast %pad3A_217 : vector<1024xf32> to vector<8x128xf32>
    %swap3A_219 = arith.constant 16 : index
    %swap3A_220 = arith.constant 0 : index
    %swap3A_221 = vector.load %arg2[%swap3A_219, %swap3A_220] : memref<128x128xf32, #tpu.memory_space<vmem>>, vector<8x128xf32>
    tpu.vector_store %arg2[%swap3A_219, %swap3A_220], %reshape3A_218 {strides = array<i32>} : memref<128x128xf32, #tpu.memory_space<vmem>>, vector<8x128xf32>,
    %dma_start3A_222 = arith.constant 2 : i32
    %dma_start3A_223 = arith.constant 2 : i32
    %dma_start3A_224 = tpu.memref_slice %arg5[%dma_start3A_223] : memref<8x!tpu.dma_semaphore, #tpu.memory_space<semaphore_mem>> -> memref<1x!tpu.dma_semaphore, #tpu.memory_space<semaphore_mem>>
    %dma_start3A_225 = tpu.memref_squeeze %dma_start3A_224 : memref<1x!tpu.dma_semaphore, #tpu.memory_space<semaphore_mem>> -> memref<!tpu.dma_semaphore, #tpu.memory_space<semaphore_mem>>
    %dma_start3A_226 = arith.constant 0 : i32
    %dma_start3A_227 = arith.constant 0 : i32
    %dma_start3A_228 = arith.constant 0 : i32
    %dma_start3A_229 = tpu.memref_slice %arg4[%dma_start3A_222, %dma_start3A_226, %dma_start3A_227, %dma_start3A_228] : memref<8x1x576x1000xf32, #tpu.memory_space<vmem>> -> memref<1x1x576x1000xf32, #tpu.memory_space<vmem>>
    %dma_start3A_230 = tpu.memref_squeeze %dma_start3A_229 : memref<1x1x576x1000xf32, #tpu.memory_space<vmem>> -> memref<1x576x1000xf32, #tpu.memory_space<vmem>>
    %dma_start3A_231 = arith.constant 10 : i32
    %dma_start3A_232 = arith.constant 0 : i32
    %dma_start3A_233 = arith.constant 0 : i32
    %dma_start3A_234 = tpu.memref_slice %arg0[%dma_start3A_231, %dma_start3A_232, %dma_start3A_233] : memref<16x576x1000xf32, #tpu.memory_space<any>> -> memref<1x576x1000xf32, #tpu.memory_space<any>>
    tpu.enqueue_dma source(%dma_start3A_234 : memref<1x576x1000xf32, #tpu.memory_space<any>>) target(%dma_start3A_230 : memref<1x576x1000xf32, #tpu.memory_space<vmem>>) target_semaphore(%dma_start3A_225 : memref<!tpu.dma_semaphore, #tpu.memory_space<semaphore_mem>>)
    %dma_wait3A_235 = arith.constant 3 : i32
    %dma_wait3A_236 = arith.constant 3 : i32
    %dma_wait3A_237 = tpu.memref_slice %arg5[%dma_wait3A_236] : memref<8x!tpu.dma_semaphore, #tpu.memory_space<semaphore_mem>> -> memref<1x!tpu.dma_semaphore, #tpu.memory_space<semaphore_mem>>
    %dma_wait3A_238 = tpu.memref_squeeze %dma_wait3A_237 : memref<1x!tpu.dma_semaphore, #tpu.memory_space<semaphore_mem>> -> memref<!tpu.dma_semaphore, #tpu.memory_space<semaphore_mem>>
    %dma_wait3A_239 = arith.constant 0 : i32
    %dma_wait3A_240 = arith.constant 0 : i32
    %dma_wait3A_241 = arith.constant 0 : i32
    %dma_wait3A_242 = tpu.memref_slice %arg4[%dma_wait3A_235, %dma_wait3A_239, %dma_wait3A_240, %dma_wait3A_241] : memref<8x1x576x1000xf32, #tpu.memory_space<vmem>> -> memref<1x1x576x1000xf32, #tpu.memory_space<vmem>>
    %dma_wait3A_243 = tpu.memref_squeeze %dma_wait3A_242 : memref<1x1x576x1000xf32, #tpu.memory_space<vmem>> -> memref<1x576x1000xf32, #tpu.memory_space<vmem>>
    %dma_wait3A_244 = arith.constant 3 : i32
    %dma_wait3A_245 = arith.constant 0 : i32
    %dma_wait3A_246 = arith.constant 0 : i32
    %dma_wait3A_247 = tpu.memref_slice %arg0[%dma_wait3A_244, %dma_wait3A_245, %dma_wait3A_246] : memref<16x576x1000xf32, #tpu.memory_space<any>> -> memref<1x576x1000xf32, #tpu.memory_space<any>>
    tpu.wait_dma2 semaphore(%dma_wait3A_238 : memref<!tpu.dma_semaphore, #tpu.memory_space<semaphore_mem>>) src(%dma_wait3A_247 : memref<1x576x1000xf32, #tpu.memory_space<any>>) dst(%dma_wait3A_243 : memref<1x576x1000xf32, #tpu.memory_space<vmem>>)
    %get3A_248 = arith.constant 3 : index
    %get3A_249 = arith.constant 0 : index
    %get3A_250 = arith.constant 0 : index
    %get3A_251 = arith.constant 0 : index
    %get3A_252 = vector.load %arg4[%get3A_248, %get3A_249, %get3A_250, %get3A_251] : memref<8x1x576x1000xf32, #tpu.memory_space<vmem>>, vector<1x1x576x1000xf32>
    %get3A_253 = vector.shape_cast %get3A_252 : vector<1x1x576x1000xf32> to vector<1x576x1000xf32>
    %reduce_sum3A_254 = arith.constant dense<0.000000e+00> : vector<1000xf32>
    %reduce_sum3A_255 = vector.multi_reduction <add>, %get3A_253, %reduce_sum3A_254 [0, 1] : vector<1x576x1000xf32> to vector<1000xf32>
    %jit3A_256 = arith.constant 0 : i32
    %convert_element_type3A_257 = arith.sitofp %jit3A_256 : i32 to f32
    %pad3A_258 = vector.broadcast %convert_element_type3A_257 : f32 to vector<24xf32>
    %pad3A_259 = tpu.concatenate %reduce_sum3A_255, %pad3A_258 in 0 : vector<1000xf32>, vector<24xf32> -> vector<1024xf32>
    %reshape3A_260 = vector.shape_cast %pad3A_259 : vector<1024xf32> to vector<8x128xf32>
    %swap3A_261 = arith.constant 24 : index
    %swap3A_262 = arith.constant 0 : index
    %swap3A_263 = vector.load %arg2[%swap3A_261, %swap3A_262] : memref<128x128xf32, #tpu.memory_space<vmem>>, vector<8x128xf32>
    tpu.vector_store %arg2[%swap3A_261, %swap3A_262], %reshape3A_260 {strides = array<i32>} : memref<128x128xf32, #tpu.memory_space<vmem>>, vector<8x128xf32>,
    %dma_start3A_264 = arith.constant 3 : i32
    %dma_start3A_265 = arith.constant 3 : i32
    %dma_start3A_266 = tpu.memref_slice %arg5[%dma_start3A_265] : memref<8x!tpu.dma_semaphore, #tpu.memory_space<semaphore_mem>> -> memref<1x!tpu.dma_semaphore, #tpu.memory_space<semaphore_mem>>
    %dma_start3A_267 = tpu.memref_squeeze %dma_start3A_266 : memref<1x!tpu.dma_semaphore, #tpu.memory_space<semaphore_mem>> -> memref<!tpu.dma_semaphore, #tpu.memory_space<semaphore_mem>>
    %dma_start3A_268 = arith.constant 0 : i32
    %dma_start3A_269 = arith.constant 0 : i32
    %dma_start3A_270 = arith.constant 0 : i32
    %dma_start3A_271 = tpu.memref_slice %arg4[%dma_start3A_264, %dma_start3A_268, %dma_start3A_269, %dma_start3A_270] : memref<8x1x576x1000xf32, #tpu.memory_space<vmem>> -> memref<1x1x576x1000xf32, #tpu.memory_space<vmem>>
    %dma_start3A_272 = tpu.memref_squeeze %dma_start3A_271 : memref<1x1x576x1000xf32, #tpu.memory_space<vmem>> -> memref<1x576x1000xf32, #tpu.memory_space<vmem>>
    %dma_start3A_273 = arith.constant 11 : i32
    %dma_start3A_274 = arith.constant 0 : i32
    %dma_start3A_275 = arith.constant 0 : i32
    %dma_start3A_276 = tpu.memref_slice %arg0[%dma_start3A_273, %dma_start3A_274, %dma_start3A_275] : memref<16x576x1000xf32, #tpu.memory_space<any>> -> memref<1x576x1000xf32, #tpu.memory_space<any>>
    tpu.enqueue_dma source(%dma_start3A_276 : memref<1x576x1000xf32, #tpu.memory_space<any>>) target(%dma_start3A_272 : memref<1x576x1000xf32, #tpu.memory_space<vmem>>) target_semaphore(%dma_start3A_267 : memref<!tpu.dma_semaphore, #tpu.memory_space<semaphore_mem>>)
    %dma_wait3A_277 = arith.constant 4 : i32
    %dma_wait3A_278 = arith.constant 4 : i32
    %dma_wait3A_279 = tpu.memref_slice %arg5[%dma_wait3A_278] : memref<8x!tpu.dma_semaphore, #tpu.memory_space<semaphore_mem>> -> memref<1x!tpu.dma_semaphore, #tpu.memory_space<semaphore_mem>>
    %dma_wait3A_280 = tpu.memref_squeeze %dma_wait3A_279 : memref<1x!tpu.dma_semaphore, #tpu.memory_space<semaphore_mem>> -> memref<!tpu.dma_semaphore, #tpu.memory_space<semaphore_mem>>
    %dma_wait3A_281 = arith.constant 0 : i32
    %dma_wait3A_282 = arith.constant 0 : i32
    %dma_wait3A_283 = arith.constant 0 : i32
    %dma_wait3A_284 = tpu.memref_slice %arg4[%dma_wait3A_277, %dma_wait3A_281, %dma_wait3A_282, %dma_wait3A_283] : memref<8x1x576x1000xf32, #tpu.memory_space<vmem>> -> memref<1x1x576x1000xf32, #tpu.memory_space<vmem>>
    %dma_wait3A_285 = tpu.memref_squeeze %dma_wait3A_284 : memref<1x1x576x1000xf32, #tpu.memory_space<vmem>> -> memref<1x576x1000xf32, #tpu.memory_space<vmem>>
    %dma_wait3A_286 = arith.constant 4 : i32
    %dma_wait3A_287 = arith.constant 0 : i32
    %dma_wait3A_288 = arith.constant 0 : i32
    %dma_wait3A_289 = tpu.memref_slice %arg0[%dma_wait3A_286, %dma_wait3A_287, %dma_wait3A_288] : memref<16x576x1000xf32, #tpu.memory_space<any>> -> memref<1x576x1000xf32, #tpu.memory_space<any>>
    tpu.wait_dma2 semaphore(%dma_wait3A_280 : memref<!tpu.dma_semaphore, #tpu.memory_space<semaphore_mem>>) src(%dma_wait3A_289 : memref<1x576x1000xf32, #tpu.memory_space<any>>) dst(%dma_wait3A_285 : memref<1x576x1000xf32, #tpu.memory_space<vmem>>)
    %get3A_290 = arith.constant 4 : index
    %get3A_291 = arith.constant 0 : index
    %get3A_292 = arith.constant 0 : index
    %get3A_293 = arith.constant 0 : index
    %get3A_294 = vector.load %arg4[%get3A_290, %get3A_291, %get3A_292, %get3A_293] : memref<8x1x576x1000xf32, #tpu.memory_space<vmem>>, vector<1x1x576x1000xf32>
    %get3A_295 = vector.shape_cast %get3A_294 : vector<1x1x576x1000xf32> to vector<1x576x1000xf32>
    %reduce_sum3A_296 = arith.constant dense<0.000000e+00> : vector<1000xf32>
    %reduce_sum3A_297 = vector.multi_reduction <add>, %get3A_295, %reduce_sum3A_296 [0, 1] : vector<1x576x1000xf32> to vector<1000xf32>
    %jit3A_298 = arith.constant 0 : i32
    %convert_element_type3A_299 = arith.sitofp %jit3A_298 : i32 to f32
    %pad3A_300 = vector.broadcast %convert_element_type3A_299 : f32 to vector<24xf32>
    %pad3A_301 = tpu.concatenate %reduce_sum3A_297, %pad3A_300 in 0 : vector<1000xf32>, vector<24xf32> -> vector<1024xf32>
    %reshape3A_302 = vector.shape_cast %pad3A_301 : vector<1024xf32> to vector<8x128xf32>
    %swap3A_303 = arith.constant 32 : index
    %swap3A_304 = arith.constant 0 : index
    %swap3A_305 = vector.load %arg2[%swap3A_303, %swap3A_304] : memref<128x128xf32, #tpu.memory_space<vmem>>, vector<8x128xf32>
    tpu.vector_store %arg2[%swap3A_303, %swap3A_304], %reshape3A_302 {strides = array<i32>} : memref<128x128xf32, #tpu.memory_space<vmem>>, vector<8x128xf32>,
    %dma_start3A_306 = arith.constant 4 : i32
    %dma_start3A_307 = arith.constant 4 : i32
    %dma_start3A_308 = tpu.memref_slice %arg5[%dma_start3A_307] : memref<8x!tpu.dma_semaphore, #tpu.memory_space<semaphore_mem>> -> memref<1x!tpu.dma_semaphore, #tpu.memory_space<semaphore_mem>>
    %dma_start3A_309 = tpu.memref_squeeze %dma_start3A_308 : memref<1x!tpu.dma_semaphore, #tpu.memory_space<semaphore_mem>> -> memref<!tpu.dma_semaphore, #tpu.memory_space<semaphore_mem>>
    %dma_start3A_310 = arith.constant 0 : i32
    %dma_start3A_311 = arith.constant 0 : i32
    %dma_start3A_312 = arith.constant 0 : i32
    %dma_start3A_313 = tpu.memref_slice %arg4[%dma_start3A_306, %dma_start3A_310, %dma_start3A_311, %dma_start3A_312] : memref<8x1x576x1000xf32, #tpu.memory_space<vmem>> -> memref<1x1x576x1000xf32, #tpu.memory_space<vmem>>
    %dma_start3A_314 = tpu.memref_squeeze %dma_start3A_313 : memref<1x1x576x1000xf32, #tpu.memory_space<vmem>> -> memref<1x576x1000xf32, #tpu.memory_space<vmem>>
    %dma_start3A_315 = arith.constant 12 : i32
    %dma_start3A_316 = arith.constant 0 : i32
    %dma_start3A_317 = arith.constant 0 : i32
    %dma_start3A_318 = tpu.memref_slice %arg0[%dma_start3A_315, %dma_start3A_316, %dma_start3A_317] : memref<16x576x1000xf32, #tpu.memory_space<any>> -> memref<1x576x1000xf32, #tpu.memory_space<any>>
    tpu.enqueue_dma source(%dma_start3A_318 : memref<1x576x1000xf32, #tpu.memory_space<any>>) target(%dma_start3A_314 : memref<1x576x1000xf32, #tpu.memory_space<vmem>>) target_semaphore(%dma_start3A_309 : memref<!tpu.dma_semaphore, #tpu.memory_space<semaphore_mem>>)
    %dma_wait3A_319 = arith.constant 5 : i32
    %dma_wait3A_320 = arith.constant 5 : i32
    %dma_wait3A_321 = tpu.memref_slice %arg5[%dma_wait3A_320] : memref<8x!tpu.dma_semaphore, #tpu.memory_space<semaphore_mem>> -> memref<1x!tpu.dma_semaphore, #tpu.memory_space<semaphore_mem>>
    %dma_wait3A_322 = tpu.memref_squeeze %dma_wait3A_321 : memref<1x!tpu.dma_semaphore, #tpu.memory_space<semaphore_mem>> -> memref<!tpu.dma_semaphore, #tpu.memory_space<semaphore_mem>>
    %dma_wait3A_323 = arith.constant 0 : i32
    %dma_wait3A_324 = arith.constant 0 : i32
    %dma_wait3A_325 = arith.constant 0 : i32
    %dma_wait3A_326 = tpu.memref_slice %arg4[%dma_wait3A_319, %dma_wait3A_323, %dma_wait3A_324, %dma_wait3A_325] : memref<8x1x576x1000xf32, #tpu.memory_space<vmem>> -> memref<1x1x576x1000xf32, #tpu.memory_space<vmem>>
    %dma_wait3A_327 = tpu.memref_squeeze %dma_wait3A_326 : memref<1x1x576x1000xf32, #tpu.memory_space<vmem>> -> memref<1x576x1000xf32, #tpu.memory_space<vmem>>
    %dma_wait3A_328 = arith.constant 5 : i32
    %dma_wait3A_329 = arith.constant 0 : i32
    %dma_wait3A_330 = arith.constant 0 : i32
    %dma_wait3A_331 = tpu.memref_slice %arg0[%dma_wait3A_328, %dma_wait3A_329, %dma_wait3A_330] : memref<16x576x1000xf32, #tpu.memory_space<any>> -> memref<1x576x1000xf32, #tpu.memory_space<any>>
    tpu.wait_dma2 semaphore(%dma_wait3A_322 : memref<!tpu.dma_semaphore, #tpu.memory_space<semaphore_mem>>) src(%dma_wait3A_331 : memref<1x576x1000xf32, #tpu.memory_space<any>>) dst(%dma_wait3A_327 : memref<1x576x1000xf32, #tpu.memory_space<vmem>>)
    %get3A_332 = arith.constant 5 : index
    %get3A_333 = arith.constant 0 : index
    %get3A_334 = arith.constant 0 : index
    %get3A_335 = arith.constant 0 : index
    %get3A_336 = vector.load %arg4[%get3A_332, %get3A_333, %get3A_334, %get3A_335] : memref<8x1x576x1000xf32, #tpu.memory_space<vmem>>, vector<1x1x576x1000xf32>
    %get3A_337 = vector.shape_cast %get3A_336 : vector<1x1x576x1000xf32> to vector<1x576x1000xf32>
    %reduce_sum3A_338 = arith.constant dense<0.000000e+00> : vector<1000xf32>
    %reduce_sum3A_339 = vector.multi_reduction <add>, %get3A_337, %reduce_sum3A_338 [0, 1] : vector<1x576x1000xf32> to vector<1000xf32>
    %jit3A_340 = arith.constant 0 : i32
    %convert_element_type3A_341 = arith.sitofp %jit3A_340 : i32 to f32
    %pad3A_342 = vector.broadcast %convert_element_type3A_341 : f32 to vector<24xf32>
    %pad3A_343 = tpu.concatenate %reduce_sum3A_339, %pad3A_342 in 0 : vector<1000xf32>, vector<24xf32> -> vector<1024xf32>
    %reshape3A_344 = vector.shape_cast %pad3A_343 : vector<1024xf32> to vector<8x128xf32>
    %swap3A_345 = arith.constant 40 : index
    %swap3A_346 = arith.constant 0 : index
    %swap3A_347 = vector.load %arg2[%swap3A_345, %swap3A_346] : memref<128x128xf32, #tpu.memory_space<vmem>>, vector<8x128xf32>
    tpu.vector_store %arg2[%swap3A_345, %swap3A_346], %reshape3A_344 {strides = array<i32>} : memref<128x128xf32, #tpu.memory_space<vmem>>, vector<8x128xf32>,
    %dma_start3A_348 = arith.constant 5 : i32
    %dma_start3A_349 = arith.constant 5 : i32
    %dma_start3A_350 = tpu.memref_slice %arg5[%dma_start3A_349] : memref<8x!tpu.dma_semaphore, #tpu.memory_space<semaphore_mem>> -> memref<1x!tpu.dma_semaphore, #tpu.memory_space<semaphore_mem>>
    %dma_start3A_351 = tpu.memref_squeeze %dma_start3A_350 : memref<1x!tpu.dma_semaphore, #tpu.memory_space<semaphore_mem>> -> memref<!tpu.dma_semaphore, #tpu.memory_space<semaphore_mem>>
    %dma_start3A_352 = arith.constant 0 : i32
    %dma_start3A_353 = arith.constant 0 : i32
    %dma_start3A_354 = arith.constant 0 : i32
    %dma_start3A_355 = tpu.memref_slice %arg4[%dma_start3A_348, %dma_start3A_352, %dma_start3A_353, %dma_start3A_354] : memref<8x1x576x1000xf32, #tpu.memory_space<vmem>> -> memref<1x1x576x1000xf32, #tpu.memory_space<vmem>>
    %dma_start3A_356 = tpu.memref_squeeze %dma_start3A_355 : memref<1x1x576x1000xf32, #tpu.memory_space<vmem>> -> memref<1x576x1000xf32, #tpu.memory_space<vmem>>
    %dma_start3A_357 = arith.constant 13 : i32
    %dma_start3A_358 = arith.constant 0 : i32
    %dma_start3A_359 = arith.constant 0 : i32
    %dma_start3A_360 = tpu.memref_slice %arg0[%dma_start3A_357, %dma_start3A_358, %dma_start3A_359] : memref<16x576x1000xf32, #tpu.memory_space<any>> -> memref<1x576x1000xf32, #tpu.memory_space<any>>
    tpu.enqueue_dma source(%dma_start3A_360 : memref<1x576x1000xf32, #tpu.memory_space<any>>) target(%dma_start3A_356 : memref<1x576x1000xf32, #tpu.memory_space<vmem>>) target_semaphore(%dma_start3A_351 : memref<!tpu.dma_semaphore, #tpu.memory_space<semaphore_mem>>)
    %dma_wait3A_361 = arith.constant 6 : i32
    %dma_wait3A_362 = arith.constant 6 : i32
    %dma_wait3A_363 = tpu.memref_slice %arg5[%dma_wait3A_362] : memref<8x!tpu.dma_semaphore, #tpu.memory_space<semaphore_mem>> -> memref<1x!tpu.dma_semaphore, #tpu.memory_space<semaphore_mem>>
    %dma_wait3A_364 = tpu.memref_squeeze %dma_wait3A_363 : memref<1x!tpu.dma_semaphore, #tpu.memory_space<semaphore_mem>> -> memref<!tpu.dma_semaphore, #tpu.memory_space<semaphore_mem>>
    %dma_wait3A_365 = arith.constant 0 : i32
    %dma_wait3A_366 = arith.constant 0 : i32
    %dma_wait3A_367 = arith.constant 0 : i32
    %dma_wait3A_368 = tpu.memref_slice %arg4[%dma_wait3A_361, %dma_wait3A_365, %dma_wait3A_366, %dma_wait3A_367] : memref<8x1x576x1000xf32, #tpu.memory_space<vmem>> -> memref<1x1x576x1000xf32, #tpu.memory_space<vmem>>
    %dma_wait3A_369 = tpu.memref_squeeze %dma_wait3A_368 : memref<1x1x576x1000xf32, #tpu.memory_space<vmem>> -> memref<1x576x1000xf32, #tpu.memory_space<vmem>>
    %dma_wait3A_370 = arith.constant 6 : i32
    %dma_wait3A_371 = arith.constant 0 : i32
    %dma_wait3A_372 = arith.constant 0 : i32
    %dma_wait3A_373 = tpu.memref_slice %arg0[%dma_wait3A_370, %dma_wait3A_371, %dma_wait3A_372] : memref<16x576x1000xf32, #tpu.memory_space<any>> -> memref<1x576x1000xf32, #tpu.memory_space<any>>
    tpu.wait_dma2 semaphore(%dma_wait3A_364 : memref<!tpu.dma_semaphore, #tpu.memory_space<semaphore_mem>>) src(%dma_wait3A_373 : memref<1x576x1000xf32, #tpu.memory_space<any>>) dst(%dma_wait3A_369 : memref<1x576x1000xf32, #tpu.memory_space<vmem>>)
    %get3A_374 = arith.constant 6 : index
    %get3A_375 = arith.constant 0 : index
    %get3A_376 = arith.constant 0 : index
    %get3A_377 = arith.constant 0 : index
    %get3A_378 = vector.load %arg4[%get3A_374, %get3A_375, %get3A_376, %get3A_377] : memref<8x1x576x1000xf32, #tpu.memory_space<vmem>>, vector<1x1x576x1000xf32>
    %get3A_379 = vector.shape_cast %get3A_378 : vector<1x1x576x1000xf32> to vector<1x576x1000xf32>
    %reduce_sum3A_380 = arith.constant dense<0.000000e+00> : vector<1000xf32>
    %reduce_sum3A_381 = vector.multi_reduction <add>, %get3A_379, %reduce_sum3A_380 [0, 1] : vector<1x576x1000xf32> to vector<1000xf32>
    %jit3A_382 = arith.constant 0 : i32
    %convert_element_type3A_383 = arith.sitofp %jit3A_382 : i32 to f32
    %pad3A_384 = vector.broadcast %convert_element_type3A_383 : f32 to vector<24xf32>
    %pad3A_385 = tpu.concatenate %reduce_sum3A_381, %pad3A_384 in 0 : vector<1000xf32>, vector<24xf32> -> vector<1024xf32>
    %reshape3A_386 = vector.shape_cast %pad3A_385 : vector<1024xf32> to vector<8x128xf32>
    %swap3A_387 = arith.constant 48 : index
    %swap3A_388 = arith.constant 0 : index
    %swap3A_389 = vector.load %arg2[%swap3A_387, %swap3A_388] : memref<128x128xf32, #tpu.memory_space<vmem>>, vector<8x128xf32>
    tpu.vector_store %arg2[%swap3A_387, %swap3A_388], %reshape3A_386 {strides = array<i32>} : memref<128x128xf32, #tpu.memory_space<vmem>>, vector<8x128xf32>,
    %dma_start3A_390 = arith.constant 6 : i32
    %dma_start3A_391 = arith.constant 6 : i32
    %dma_start3A_392 = tpu.memref_slice %arg5[%dma_start3A_391] : memref<8x!tpu.dma_semaphore, #tpu.memory_space<semaphore_mem>> -> memref<1x!tpu.dma_semaphore, #tpu.memory_space<semaphore_mem>>
    %dma_start3A_393 = tpu.memref_squeeze %dma_start3A_392 : memref<1x!tpu.dma_semaphore, #tpu.memory_space<semaphore_mem>> -> memref<!tpu.dma_semaphore, #tpu.memory_space<semaphore_mem>>
    %dma_start3A_394 = arith.constant 0 : i32
    %dma_start3A_395 = arith.constant 0 : i32
    %dma_start3A_396 = arith.constant 0 : i32
    %dma_start3A_397 = tpu.memref_slice %arg4[%dma_start3A_390, %dma_start3A_394, %dma_start3A_395, %dma_start3A_396] : memref<8x1x576x1000xf32, #tpu.memory_space<vmem>> -> memref<1x1x576x1000xf32, #tpu.memory_space<vmem>>
    %dma_start3A_398 = tpu.memref_squeeze %dma_start3A_397 : memref<1x1x576x1000xf32, #tpu.memory_space<vmem>> -> memref<1x576x1000xf32, #tpu.memory_space<vmem>>
    %dma_start3A_399 = arith.constant 14 : i32
    %dma_start3A_400 = arith.constant 0 : i32
    %dma_start3A_401 = arith.constant 0 : i32
    %dma_start3A_402 = tpu.memref_slice %arg0[%dma_start3A_399, %dma_start3A_400, %dma_start3A_401] : memref<16x576x1000xf32, #tpu.memory_space<any>> -> memref<1x576x1000xf32, #tpu.memory_space<any>>
    tpu.enqueue_dma source(%dma_start3A_402 : memref<1x576x1000xf32, #tpu.memory_space<any>>) target(%dma_start3A_398 : memref<1x576x1000xf32, #tpu.memory_space<vmem>>) target_semaphore(%dma_start3A_393 : memref<!tpu.dma_semaphore, #tpu.memory_space<semaphore_mem>>)
    %dma_wait3A_403 = arith.constant 7 : i32
    %dma_wait3A_404 = arith.constant 7 : i32
    %dma_wait3A_405 = tpu.memref_slice %arg5[%dma_wait3A_404] : memref<8x!tpu.dma_semaphore, #tpu.memory_space<semaphore_mem>> -> memref<1x!tpu.dma_semaphore, #tpu.memory_space<semaphore_mem>>
    %dma_wait3A_406 = tpu.memref_squeeze %dma_wait3A_405 : memref<1x!tpu.dma_semaphore, #tpu.memory_space<semaphore_mem>> -> memref<!tpu.dma_semaphore, #tpu.memory_space<semaphore_mem>>
    %dma_wait3A_407 = arith.constant 0 : i32
    %dma_wait3A_408 = arith.constant 0 : i32
    %dma_wait3A_409 = arith.constant 0 : i32
    %dma_wait3A_410 = tpu.memref_slice %arg4[%dma_wait3A_403, %dma_wait3A_407, %dma_wait3A_408, %dma_wait3A_409] : memref<8x1x576x1000xf32, #tpu.memory_space<vmem>> -> memref<1x1x576x1000xf32, #tpu.memory_space<vmem>>
    %dma_wait3A_411 = tpu.memref_squeeze %dma_wait3A_410 : memref<1x1x576x1000xf32, #tpu.memory_space<vmem>> -> memref<1x576x1000xf32, #tpu.memory_space<vmem>>
    %dma_wait3A_412 = arith.constant 7 : i32
    %dma_wait3A_413 = arith.constant 0 : i32
    %dma_wait3A_414 = arith.constant 0 : i32
    %dma_wait3A_415 = tpu.memref_slice %arg0[%dma_wait3A_412, %dma_wait3A_413, %dma_wait3A_414] : memref<16x576x1000xf32, #tpu.memory_space<any>> -> memref<1x576x1000xf32, #tpu.memory_space<any>>
    tpu.wait_dma2 semaphore(%dma_wait3A_406 : memref<!tpu.dma_semaphore, #tpu.memory_space<semaphore_mem>>) src(%dma_wait3A_415 : memref<1x576x1000xf32, #tpu.memory_space<any>>) dst(%dma_wait3A_411 : memref<1x576x1000xf32, #tpu.memory_space<vmem>>)
    %get3A_416 = arith.constant 7 : index
    %get3A_417 = arith.constant 0 : index
    %get3A_418 = arith.constant 0 : index
    %get3A_419 = arith.constant 0 : index
    %get3A_420 = vector.load %arg4[%get3A_416, %get3A_417, %get3A_418, %get3A_419] : memref<8x1x576x1000xf32, #tpu.memory_space<vmem>>, vector<1x1x576x1000xf32>
    %get3A_421 = vector.shape_cast %get3A_420 : vector<1x1x576x1000xf32> to vector<1x576x1000xf32>
    %reduce_sum3A_422 = arith.constant dense<0.000000e+00> : vector<1000xf32>
    %reduce_sum3A_423 = vector.multi_reduction <add>, %get3A_421, %reduce_sum3A_422 [0, 1] : vector<1x576x1000xf32> to vector<1000xf32>
    %jit3A_424 = arith.constant 0 : i32
    %convert_element_type3A_425 = arith.sitofp %jit3A_424 : i32 to f32
    %pad3A_426 = vector.broadcast %convert_element_type3A_425 : f32 to vector<24xf32>
    %pad3A_427 = tpu.concatenate %reduce_sum3A_423, %pad3A_426 in 0 : vector<1000xf32>, vector<24xf32> -> vector<1024xf32>
    %reshape3A_428 = vector.shape_cast %pad3A_427 : vector<1024xf32> to vector<8x128xf32>
    %swap3A_429 = arith.constant 56 : index
    %swap3A_430 = arith.constant 0 : index
    %swap3A_431 = vector.load %arg2[%swap3A_429, %swap3A_430] : memref<128x128xf32, #tpu.memory_space<vmem>>, vector<8x128xf32>
    tpu.vector_store %arg2[%swap3A_429, %swap3A_430], %reshape3A_428 {strides = array<i32>} : memref<128x128xf32, #tpu.memory_space<vmem>>, vector<8x128xf32>,
    %dma_start3A_432 = arith.constant 7 : i32
    %dma_start3A_433 = arith.constant 7 : i32
    %dma_start3A_434 = tpu.memref_slice %arg5[%dma_start3A_433] : memref<8x!tpu.dma_semaphore, #tpu.memory_space<semaphore_mem>> -> memref<1x!tpu.dma_semaphore, #tpu.memory_space<semaphore_mem>>
    %dma_start3A_435 = tpu.memref_squeeze %dma_start3A_434 : memref<1x!tpu.dma_semaphore, #tpu.memory_space<semaphore_mem>> -> memref<!tpu.dma_semaphore, #tpu.memory_space<semaphore_mem>>
    %dma_start3A_436 = arith.constant 0 : i32
    %dma_start3A_437 = arith.constant 0 : i32
    %dma_start3A_438 = arith.constant 0 : i32
    %dma_start3A_439 = tpu.memref_slice %arg4[%dma_start3A_432, %dma_start3A_436, %dma_start3A_437, %dma_start3A_438] : memref<8x1x576x1000xf32, #tpu.memory_space<vmem>> -> memref<1x1x576x1000xf32, #tpu.memory_space<vmem>>
    %dma_start3A_440 = tpu.memref_squeeze %dma_start3A_439 : memref<1x1x576x1000xf32, #tpu.memory_space<vmem>> -> memref<1x576x1000xf32, #tpu.memory_space<vmem>>
    %dma_start3A_441 = arith.constant 15 : i32
    %dma_start3A_442 = arith.constant 0 : i32
    %dma_start3A_443 = arith.constant 0 : i32
    %dma_start3A_444 = tpu.memref_slice %arg0[%dma_start3A_441, %dma_start3A_442, %dma_start3A_443] : memref<16x576x1000xf32, #tpu.memory_space<any>> -> memref<1x576x1000xf32, #tpu.memory_space<any>>
    tpu.enqueue_dma source(%dma_start3A_444 : memref<1x576x1000xf32, #tpu.memory_space<any>>) target(%dma_start3A_440 : memref<1x576x1000xf32, #tpu.memory_space<vmem>>) target_semaphore(%dma_start3A_435 : memref<!tpu.dma_semaphore, #tpu.memory_space<semaphore_mem>>)
    %dma_wait3A_445 = arith.constant 0 : i32
    %dma_wait3A_446 = arith.constant 0 : i32
    %dma_wait3A_447 = tpu.memref_slice %arg5[%dma_wait3A_446] : memref<8x!tpu.dma_semaphore, #tpu.memory_space<semaphore_mem>> -> memref<1x!tpu.dma_semaphore, #tpu.memory_space<semaphore_mem>>
    %dma_wait3A_448 = tpu.memref_squeeze %dma_wait3A_447 : memref<1x!tpu.dma_semaphore, #tpu.memory_space<semaphore_mem>> -> memref<!tpu.dma_semaphore, #tpu.memory_space<semaphore_mem>>
    %dma_wait3A_449 = arith.constant 0 : i32
    %dma_wait3A_450 = arith.constant 0 : i32
    %dma_wait3A_451 = arith.constant 0 : i32
    %dma_wait3A_452 = tpu.memref_slice %arg4[%dma_wait3A_445, %dma_wait3A_449, %dma_wait3A_450, %dma_wait3A_451] : memref<8x1x576x1000xf32, #tpu.memory_space<vmem>> -> memref<1x1x576x1000xf32, #tpu.memory_space<vmem>>
    %dma_wait3A_453 = tpu.memref_squeeze %dma_wait3A_452 : memref<1x1x576x1000xf32, #tpu.memory_space<vmem>> -> memref<1x576x1000xf32, #tpu.memory_space<vmem>>
    %dma_wait3A_454 = arith.constant 8 : i32
    %dma_wait3A_455 = arith.constant 0 : i32
    %dma_wait3A_456 = arith.constant 0 : i32
    %dma_wait3A_457 = tpu.memref_slice %arg0[%dma_wait3A_454, %dma_wait3A_455, %dma_wait3A_456] : memref<16x576x1000xf32, #tpu.memory_space<any>> -> memref<1x576x1000xf32, #tpu.memory_space<any>>
    tpu.wait_dma2 semaphore(%dma_wait3A_448 : memref<!tpu.dma_semaphore, #tpu.memory_space<semaphore_mem>>) src(%dma_wait3A_457 : memref<1x576x1000xf32, #tpu.memory_space<any>>) dst(%dma_wait3A_453 : memref<1x576x1000xf32, #tpu.memory_space<vmem>>)
    %get3A_458 = arith.constant 0 : index
    %get3A_459 = arith.constant 0 : index
    %get3A_460 = arith.constant 0 : index
    %get3A_461 = arith.constant 0 : index
    %get3A_462 = vector.load %arg4[%get3A_458, %get3A_459, %get3A_460, %get3A_461] : memref<8x1x576x1000xf32, #tpu.memory_space<vmem>>, vector<1x1x576x1000xf32>
    %get3A_463 = vector.shape_cast %get3A_462 : vector<1x1x576x1000xf32> to vector<1x576x1000xf32>
    %reduce_sum3A_464 = arith.constant dense<0.000000e+00> : vector<1000xf32>
    %reduce_sum3A_465 = vector.multi_reduction <add>, %get3A_463, %reduce_sum3A_464 [0, 1] : vector<1x576x1000xf32> to vector<1000xf32>
    %jit3A_466 = arith.constant 0 : i32
    %convert_element_type3A_467 = arith.sitofp %jit3A_466 : i32 to f32
    %pad3A_468 = vector.broadcast %convert_element_type3A_467 : f32 to vector<24xf32>
    %pad3A_469 = tpu.concatenate %reduce_sum3A_465, %pad3A_468 in 0 : vector<1000xf32>, vector<24xf32> -> vector<1024xf32>
    %reshape3A_470 = vector.shape_cast %pad3A_469 : vector<1024xf32> to vector<8x128xf32>
    %swap3A_471 = arith.constant 64 : index
    %swap3A_472 = arith.constant 0 : index
    %swap3A_473 = vector.load %arg2[%swap3A_471, %swap3A_472] : memref<128x128xf32, #tpu.memory_space<vmem>>, vector<8x128xf32>
    tpu.vector_store %arg2[%swap3A_471, %swap3A_472], %reshape3A_470 {strides = array<i32>} : memref<128x128xf32, #tpu.memory_space<vmem>>, vector<8x128xf32>,
    %dma_wait3A_474 = arith.constant 1 : i32
    %dma_wait3A_475 = arith.constant 1 : i32
    %dma_wait3A_476 = tpu.memref_slice %arg5[%dma_wait3A_475] : memref<8x!tpu.dma_semaphore, #tpu.memory_space<semaphore_mem>> -> memref<1x!tpu.dma_semaphore, #tpu.memory_space<semaphore_mem>>
    %dma_wait3A_477 = tpu.memref_squeeze %dma_wait3A_476 : memref<1x!tpu.dma_semaphore, #tpu.memory_space<semaphore_mem>> -> memref<!tpu.dma_semaphore, #tpu.memory_space<semaphore_mem>>
    %dma_wait3A_478 = arith.constant 0 : i32
    %dma_wait3A_479 = arith.constant 0 : i32
    %dma_wait3A_480 = arith.constant 0 : i32
    %dma_wait3A_481 = tpu.memref_slice %arg4[%dma_wait3A_474, %dma_wait3A_478, %dma_wait3A_479, %dma_wait3A_480] : memref<8x1x576x1000xf32, #tpu.memory_space<vmem>> -> memref<1x1x576x1000xf32, #tpu.memory_space<vmem>>
    %dma_wait3A_482 = tpu.memref_squeeze %dma_wait3A_481 : memref<1x1x576x1000xf32, #tpu.memory_space<vmem>> -> memref<1x576x1000xf32, #tpu.memory_space<vmem>>
    %dma_wait3A_483 = arith.constant 9 : i32
    %dma_wait3A_484 = arith.constant 0 : i32
    %dma_wait3A_485 = arith.constant 0 : i32
    %dma_wait3A_486 = tpu.memref_slice %arg0[%dma_wait3A_483, %dma_wait3A_484, %dma_wait3A_485] : memref<16x576x1000xf32, #tpu.memory_space<any>> -> memref<1x576x1000xf32, #tpu.memory_space<any>>
    tpu.wait_dma2 semaphore(%dma_wait3A_477 : memref<!tpu.dma_semaphore, #tpu.memory_space<semaphore_mem>>) src(%dma_wait3A_486 : memref<1x576x1000xf32, #tpu.memory_space<any>>) dst(%dma_wait3A_482 : memref<1x576x1000xf32, #tpu.memory_space<vmem>>)
    %get3A_487 = arith.constant 1 : index
    %get3A_488 = arith.constant 0 : index
    %get3A_489 = arith.constant 0 : index
    %get3A_490 = arith.constant 0 : index
    %get3A_491 = vector.load %arg4[%get3A_487, %get3A_488, %get3A_489, %get3A_490] : memref<8x1x576x1000xf32, #tpu.memory_space<vmem>>, vector<1x1x576x1000xf32>
    %get3A_492 = vector.shape_cast %get3A_491 : vector<1x1x576x1000xf32> to vector<1x576x1000xf32>
    %reduce_sum3A_493 = arith.constant dense<0.000000e+00> : vector<1000xf32>
    %reduce_sum3A_494 = vector.multi_reduction <add>, %get3A_492, %reduce_sum3A_493 [0, 1] : vector<1x576x1000xf32> to vector<1000xf32>
    %jit3A_495 = arith.constant 0 : i32
    %convert_element_type3A_496 = arith.sitofp %jit3A_495 : i32 to f32
    %pad3A_497 = vector.broadcast %convert_element_type3A_496 : f32 to vector<24xf32>
    %pad3A_498 = tpu.concatenate %reduce_sum3A_494, %pad3A_497 in 0 : vector<1000xf32>, vector<24xf32> -> vector<1024xf32>
    %reshape3A_499 = vector.shape_cast %pad3A_498 : vector<1024xf32> to vector<8x128xf32>
    %swap3A_500 = arith.constant 72 : index
    %swap3A_501 = arith.constant 0 : index
    %swap3A_502 = vector.load %arg2[%swap3A_500, %swap3A_501] : memref<128x128xf32, #tpu.memory_space<vmem>>, vector<8x128xf32>
    tpu.vector_store %arg2[%swap3A_500, %swap3A_501], %reshape3A_499 {strides = array<i32>} : memref<128x128xf32, #tpu.memory_space<vmem>>, vector<8x128xf32>,
    %dma_wait3A_503 = arith.constant 2 : i32
    %dma_wait3A_504 = arith.constant 2 : i32
    %dma_wait3A_505 = tpu.memref_slice %arg5[%dma_wait3A_504] : memref<8x!tpu.dma_semaphore, #tpu.memory_space<semaphore_mem>> -> memref<1x!tpu.dma_semaphore, #tpu.memory_space<semaphore_mem>>
    %dma_wait3A_506 = tpu.memref_squeeze %dma_wait3A_505 : memref<1x!tpu.dma_semaphore, #tpu.memory_space<semaphore_mem>> -> memref<!tpu.dma_semaphore, #tpu.memory_space<semaphore_mem>>
    %dma_wait3A_507 = arith.constant 0 : i32
    %dma_wait3A_508 = arith.constant 0 : i32
    %dma_wait3A_509 = arith.constant 0 : i32
    %dma_wait3A_510 = tpu.memref_slice %arg4[%dma_wait3A_503, %dma_wait3A_507, %dma_wait3A_508, %dma_wait3A_509] : memref<8x1x576x1000xf32, #tpu.memory_space<vmem>> -> memref<1x1x576x1000xf32, #tpu.memory_space<vmem>>
    %dma_wait3A_511 = tpu.memref_squeeze %dma_wait3A_510 : memref<1x1x576x1000xf32, #tpu.memory_space<vmem>> -> memref<1x576x1000xf32, #tpu.memory_space<vmem>>
    %dma_wait3A_512 = arith.constant 10 : i32
    %dma_wait3A_513 = arith.constant 0 : i32
    %dma_wait3A_514 = arith.constant 0 : i32
    %dma_wait3A_515 = tpu.memref_slice %arg0[%dma_wait3A_512, %dma_wait3A_513, %dma_wait3A_514] : memref<16x576x1000xf32, #tpu.memory_space<any>> -> memref<1x576x1000xf32, #tpu.memory_space<any>>
    tpu.wait_dma2 semaphore(%dma_wait3A_506 : memref<!tpu.dma_semaphore, #tpu.memory_space<semaphore_mem>>) src(%dma_wait3A_515 : memref<1x576x1000xf32, #tpu.memory_space<any>>) dst(%dma_wait3A_511 : memref<1x576x1000xf32, #tpu.memory_space<vmem>>)
    %get3A_516 = arith.constant 2 : index
    %get3A_517 = arith.constant 0 : index
    %get3A_518 = arith.constant 0 : index
    %get3A_519 = arith.constant 0 : index
    %get3A_520 = vector.load %arg4[%get3A_516, %get3A_517, %get3A_518, %get3A_519] : memref<8x1x576x1000xf32, #tpu.memory_space<vmem>>, vector<1x1x576x1000xf32>
    %get3A_521 = vector.shape_cast %get3A_520 : vector<1x1x576x1000xf32> to vector<1x576x1000xf32>
    %reduce_sum3A_522 = arith.constant dense<0.000000e+00> : vector<1000xf32>
    %reduce_sum3A_523 = vector.multi_reduction <add>, %get3A_521, %reduce_sum3A_522 [0, 1] : vector<1x576x1000xf32> to vector<1000xf32>
    %jit3A_524 = arith.constant 0 : i32
    %convert_element_type3A_525 = arith.sitofp %jit3A_524 : i32 to f32
    %pad3A_526 = vector.broadcast %convert_element_type3A_525 : f32 to vector<24xf32>
    %pad3A_527 = tpu.concatenate %reduce_sum3A_523, %pad3A_526 in 0 : vector<1000xf32>, vector<24xf32> -> vector<1024xf32>
    %reshape3A_528 = vector.shape_cast %pad3A_527 : vector<1024xf32> to vector<8x128xf32>
    %swap3A_529 = arith.constant 80 : index
    %swap3A_530 = arith.constant 0 : index
    %swap3A_531 = vector.load %arg2[%swap3A_529, %swap3A_530] : memref<128x128xf32, #tpu.memory_space<vmem>>, vector<8x128xf32>
    tpu.vector_store %arg2[%swap3A_529, %swap3A_530], %reshape3A_528 {strides = array<i32>} : memref<128x128xf32, #tpu.memory_space<vmem>>, vector<8x128xf32>,
    %dma_wait3A_532 = arith.constant 3 : i32
    %dma_wait3A_533 = arith.constant 3 : i32
    %dma_wait3A_534 = tpu.memref_slice %arg5[%dma_wait3A_533] : memref<8x!tpu.dma_semaphore, #tpu.memory_space<semaphore_mem>> -> memref<1x!tpu.dma_semaphore, #tpu.memory_space<semaphore_mem>>
    %dma_wait3A_535 = tpu.memref_squeeze %dma_wait3A_534 : memref<1x!tpu.dma_semaphore, #tpu.memory_space<semaphore_mem>> -> memref<!tpu.dma_semaphore, #tpu.memory_space<semaphore_mem>>
    %dma_wait3A_536 = arith.constant 0 : i32
    %dma_wait3A_537 = arith.constant 0 : i32
    %dma_wait3A_538 = arith.constant 0 : i32
    %dma_wait3A_539 = tpu.memref_slice %arg4[%dma_wait3A_532, %dma_wait3A_536, %dma_wait3A_537, %dma_wait3A_538] : memref<8x1x576x1000xf32, #tpu.memory_space<vmem>> -> memref<1x1x576x1000xf32, #tpu.memory_space<vmem>>
    %dma_wait3A_540 = tpu.memref_squeeze %dma_wait3A_539 : memref<1x1x576x1000xf32, #tpu.memory_space<vmem>> -> memref<1x576x1000xf32, #tpu.memory_space<vmem>>
    %dma_wait3A_541 = arith.constant 11 : i32
    %dma_wait3A_542 = arith.constant 0 : i32
    %dma_wait3A_543 = arith.constant 0 : i32
    %dma_wait3A_544 = tpu.memref_slice %arg0[%dma_wait3A_541, %dma_wait3A_542, %dma_wait3A_543] : memref<16x576x1000xf32, #tpu.memory_space<any>> -> memref<1x576x1000xf32, #tpu.memory_space<any>>
    tpu.wait_dma2 semaphore(%dma_wait3A_535 : memref<!tpu.dma_semaphore, #tpu.memory_space<semaphore_mem>>) src(%dma_wait3A_544 : memref<1x576x1000xf32, #tpu.memory_space<any>>) dst(%dma_wait3A_540 : memref<1x576x1000xf32, #tpu.memory_space<vmem>>)
    %get3A_545 = arith.constant 3 : index
    %get3A_546 = arith.constant 0 : index
    %get3A_547 = arith.constant 0 : index
    %get3A_548 = arith.constant 0 : index
    %get3A_549 = vector.load %arg4[%get3A_545, %get3A_546, %get3A_547, %get3A_548] : memref<8x1x576x1000xf32, #tpu.memory_space<vmem>>, vector<1x1x576x1000xf32>
    %get3A_550 = vector.shape_cast %get3A_549 : vector<1x1x576x1000xf32> to vector<1x576x1000xf32>
    %reduce_sum3A_551 = arith.constant dense<0.000000e+00> : vector<1000xf32>
    %reduce_sum3A_552 = vector.multi_reduction <add>, %get3A_550, %reduce_sum3A_551 [0, 1] : vector<1x576x1000xf32> to vector<1000xf32>
    %jit3A_553 = arith.constant 0 : i32
    %convert_element_type3A_554 = arith.sitofp %jit3A_553 : i32 to f32
    %pad3A_555 = vector.broadcast %convert_element_type3A_554 : f32 to vector<24xf32>
    %pad3A_556 = tpu.concatenate %reduce_sum3A_552, %pad3A_555 in 0 : vector<1000xf32>, vector<24xf32> -> vector<1024xf32>
    %reshape3A_557 = vector.shape_cast %pad3A_556 : vector<1024xf32> to vector<8x128xf32>
    %swap3A_558 = arith.constant 88 : index
    %swap3A_559 = arith.constant 0 : index
    %swap3A_560 = vector.load %arg2[%swap3A_558, %swap3A_559] : memref<128x128xf32, #tpu.memory_space<vmem>>, vector<8x128xf32>
    tpu.vector_store %arg2[%swap3A_558, %swap3A_559], %reshape3A_557 {strides = array<i32>} : memref<128x128xf32, #tpu.memory_space<vmem>>, vector<8x128xf32>,
    %dma_wait3A_561 = arith.constant 4 : i32
    %dma_wait3A_562 = arith.constant 4 : i32
    %dma_wait3A_563 = tpu.memref_slice %arg5[%dma_wait3A_562] : memref<8x!tpu.dma_semaphore, #tpu.memory_space<semaphore_mem>> -> memref<1x!tpu.dma_semaphore, #tpu.memory_space<semaphore_mem>>
    %dma_wait3A_564 = tpu.memref_squeeze %dma_wait3A_563 : memref<1x!tpu.dma_semaphore, #tpu.memory_space<semaphore_mem>> -> memref<!tpu.dma_semaphore, #tpu.memory_space<semaphore_mem>>
    %dma_wait3A_565 = arith.constant 0 : i32
    %dma_wait3A_566 = arith.constant 0 : i32
    %dma_wait3A_567 = arith.constant 0 : i32
    %dma_wait3A_568 = tpu.memref_slice %arg4[%dma_wait3A_561, %dma_wait3A_565, %dma_wait3A_566, %dma_wait3A_567] : memref<8x1x576x1000xf32, #tpu.memory_space<vmem>> -> memref<1x1x576x1000xf32, #tpu.memory_space<vmem>>
    %dma_wait3A_569 = tpu.memref_squeeze %dma_wait3A_568 : memref<1x1x576x1000xf32, #tpu.memory_space<vmem>> -> memref<1x576x1000xf32, #tpu.memory_space<vmem>>
    %dma_wait3A_570 = arith.constant 12 : i32
    %dma_wait3A_571 = arith.constant 0 : i32
    %dma_wait3A_572 = arith.constant 0 : i32
    %dma_wait3A_573 = tpu.memref_slice %arg0[%dma_wait3A_570, %dma_wait3A_571, %dma_wait3A_572] : memref<16x576x1000xf32, #tpu.memory_space<any>> -> memref<1x576x1000xf32, #tpu.memory_space<any>>
    tpu.wait_dma2 semaphore(%dma_wait3A_564 : memref<!tpu.dma_semaphore, #tpu.memory_space<semaphore_mem>>) src(%dma_wait3A_573 : memref<1x576x1000xf32, #tpu.memory_space<any>>) dst(%dma_wait3A_569 : memref<1x576x1000xf32, #tpu.memory_space<vmem>>)
    %get3A_574 = arith.constant 4 : index
    %get3A_575 = arith.constant 0 : index
    %get3A_576 = arith.constant 0 : index
    %get3A_577 = arith.constant 0 : index
    %get3A_578 = vector.load %arg4[%get3A_574, %get3A_575, %get3A_576, %get3A_577] : memref<8x1x576x1000xf32, #tpu.memory_space<vmem>>, vector<1x1x576x1000xf32>
    %get3A_579 = vector.shape_cast %get3A_578 : vector<1x1x576x1000xf32> to vector<1x576x1000xf32>
    %reduce_sum3A_580 = arith.constant dense<0.000000e+00> : vector<1000xf32>
    %reduce_sum3A_581 = vector.multi_reduction <add>, %get3A_579, %reduce_sum3A_580 [0, 1] : vector<1x576x1000xf32> to vector<1000xf32>
    %jit3A_582 = arith.constant 0 : i32
    %convert_element_type3A_583 = arith.sitofp %jit3A_582 : i32 to f32
    %pad3A_584 = vector.broadcast %convert_element_type3A_583 : f32 to vector<24xf32>
    %pad3A_585 = tpu.concatenate %reduce_sum3A_581, %pad3A_584 in 0 : vector<1000xf32>, vector<24xf32> -> vector<1024xf32>
    %reshape3A_586 = vector.shape_cast %pad3A_585 : vector<1024xf32> to vector<8x128xf32>
    %swap3A_587 = arith.constant 96 : index
    %swap3A_588 = arith.constant 0 : index
    %swap3A_589 = vector.load %arg2[%swap3A_587, %swap3A_588] : memref<128x128xf32, #tpu.memory_space<vmem>>, vector<8x128xf32>
    tpu.vector_store %arg2[%swap3A_587, %swap3A_588], %reshape3A_586 {strides = array<i32>} : memref<128x128xf32, #tpu.memory_space<vmem>>, vector<8x128xf32>,
    %dma_wait3A_590 = arith.constant 5 : i32
    %dma_wait3A_591 = arith.constant 5 : i32
    %dma_wait3A_592 = tpu.memref_slice %arg5[%dma_wait3A_591] : memref<8x!tpu.dma_semaphore, #tpu.memory_space<semaphore_mem>> -> memref<1x!tpu.dma_semaphore, #tpu.memory_space<semaphore_mem>>
    %dma_wait3A_593 = tpu.memref_squeeze %dma_wait3A_592 : memref<1x!tpu.dma_semaphore, #tpu.memory_space<semaphore_mem>> -> memref<!tpu.dma_semaphore, #tpu.memory_space<semaphore_mem>>
    %dma_wait3A_594 = arith.constant 0 : i32
    %dma_wait3A_595 = arith.constant 0 : i32
    %dma_wait3A_596 = arith.constant 0 : i32
    %dma_wait3A_597 = tpu.memref_slice %arg4[%dma_wait3A_590, %dma_wait3A_594, %dma_wait3A_595, %dma_wait3A_596] : memref<8x1x576x1000xf32, #tpu.memory_space<vmem>> -> memref<1x1x576x1000xf32, #tpu.memory_space<vmem>>
    %dma_wait3A_598 = tpu.memref_squeeze %dma_wait3A_597 : memref<1x1x576x1000xf32, #tpu.memory_space<vmem>> -> memref<1x576x1000xf32, #tpu.memory_space<vmem>>
    %dma_wait3A_599 = arith.constant 13 : i32
    %dma_wait3A_600 = arith.constant 0 : i32
    %dma_wait3A_601 = arith.constant 0 : i32
    %dma_wait3A_602 = tpu.memref_slice %arg0[%dma_wait3A_599, %dma_wait3A_600, %dma_wait3A_601] : memref<16x576x1000xf32, #tpu.memory_space<any>> -> memref<1x576x1000xf32, #tpu.memory_space<any>>
    tpu.wait_dma2 semaphore(%dma_wait3A_593 : memref<!tpu.dma_semaphore, #tpu.memory_space<semaphore_mem>>) src(%dma_wait3A_602 : memref<1x576x1000xf32, #tpu.memory_space<any>>) dst(%dma_wait3A_598 : memref<1x576x1000xf32, #tpu.memory_space<vmem>>)
    %get3A_603 = arith.constant 5 : index
    %get3A_604 = arith.constant 0 : index
    %get3A_605 = arith.constant 0 : index
    %get3A_606 = arith.constant 0 : index
    %get3A_607 = vector.load %arg4[%get3A_603, %get3A_604, %get3A_605, %get3A_606] : memref<8x1x576x1000xf32, #tpu.memory_space<vmem>>, vector<1x1x576x1000xf32>
    %get3A_608 = vector.shape_cast %get3A_607 : vector<1x1x576x1000xf32> to vector<1x576x1000xf32>
    %reduce_sum3A_609 = arith.constant dense<0.000000e+00> : vector<1000xf32>
    %reduce_sum3A_610 = vector.multi_reduction <add>, %get3A_608, %reduce_sum3A_609 [0, 1] : vector<1x576x1000xf32> to vector<1000xf32>
    %jit3A_611 = arith.constant 0 : i32
    %convert_element_type3A_612 = arith.sitofp %jit3A_611 : i32 to f32
    %pad3A_613 = vector.broadcast %convert_element_type3A_612 : f32 to vector<24xf32>
    %pad3A_614 = tpu.concatenate %reduce_sum3A_610, %pad3A_613 in 0 : vector<1000xf32>, vector<24xf32> -> vector<1024xf32>
    %reshape3A_615 = vector.shape_cast %pad3A_614 : vector<1024xf32> to vector<8x128xf32>
    %swap3A_616 = arith.constant 104 : index
    %swap3A_617 = arith.constant 0 : index
    %swap3A_618 = vector.load %arg2[%swap3A_616, %swap3A_617] : memref<128x128xf32, #tpu.memory_space<vmem>>, vector<8x128xf32>
    tpu.vector_store %arg2[%swap3A_616, %swap3A_617], %reshape3A_615 {strides = array<i32>} : memref<128x128xf32, #tpu.memory_space<vmem>>, vector<8x128xf32>,
    %dma_wait3A_619 = arith.constant 6 : i32
    %dma_wait3A_620 = arith.constant 6 : i32
    %dma_wait3A_621 = tpu.memref_slice %arg5[%dma_wait3A_620] : memref<8x!tpu.dma_semaphore, #tpu.memory_space<semaphore_mem>> -> memref<1x!tpu.dma_semaphore, #tpu.memory_space<semaphore_mem>>
    %dma_wait3A_622 = tpu.memref_squeeze %dma_wait3A_621 : memref<1x!tpu.dma_semaphore, #tpu.memory_space<semaphore_mem>> -> memref<!tpu.dma_semaphore, #tpu.memory_space<semaphore_mem>>
    %dma_wait3A_623 = arith.constant 0 : i32
    %dma_wait3A_624 = arith.constant 0 : i32
    %dma_wait3A_625 = arith.constant 0 : i32
    %dma_wait3A_626 = tpu.memref_slice %arg4[%dma_wait3A_619, %dma_wait3A_623, %dma_wait3A_624, %dma_wait3A_625] : memref<8x1x576x1000xf32, #tpu.memory_space<vmem>> -> memref<1x1x576x1000xf32, #tpu.memory_space<vmem>>
    %dma_wait3A_627 = tpu.memref_squeeze %dma_wait3A_626 : memref<1x1x576x1000xf32, #tpu.memory_space<vmem>> -> memref<1x576x1000xf32, #tpu.memory_space<vmem>>
    %dma_wait3A_628 = arith.constant 14 : i32
    %dma_wait3A_629 = arith.constant 0 : i32
    %dma_wait3A_630 = arith.constant 0 : i32
    %dma_wait3A_631 = tpu.memref_slice %arg0[%dma_wait3A_628, %dma_wait3A_629, %dma_wait3A_630] : memref<16x576x1000xf32, #tpu.memory_space<any>> -> memref<1x576x1000xf32, #tpu.memory_space<any>>
    tpu.wait_dma2 semaphore(%dma_wait3A_622 : memref<!tpu.dma_semaphore, #tpu.memory_space<semaphore_mem>>) src(%dma_wait3A_631 : memref<1x576x1000xf32, #tpu.memory_space<any>>) dst(%dma_wait3A_627 : memref<1x576x1000xf32, #tpu.memory_space<vmem>>)
    %get3A_632 = arith.constant 6 : index
    %get3A_633 = arith.constant 0 : index
    %get3A_634 = arith.constant 0 : index
    %get3A_635 = arith.constant 0 : index
    %get3A_636 = vector.load %arg4[%get3A_632, %get3A_633, %get3A_634, %get3A_635] : memref<8x1x576x1000xf32, #tpu.memory_space<vmem>>, vector<1x1x576x1000xf32>
    %get3A_637 = vector.shape_cast %get3A_636 : vector<1x1x576x1000xf32> to vector<1x576x1000xf32>
    %reduce_sum3A_638 = arith.constant dense<0.000000e+00> : vector<1000xf32>
    %reduce_sum3A_639 = vector.multi_reduction <add>, %get3A_637, %reduce_sum3A_638 [0, 1] : vector<1x576x1000xf32> to vector<1000xf32>
    %jit3A_640 = arith.constant 0 : i32
    %convert_element_type3A_641 = arith.sitofp %jit3A_640 : i32 to f32
    %pad3A_642 = vector.broadcast %convert_element_type3A_641 : f32 to vector<24xf32>
    %pad3A_643 = tpu.concatenate %reduce_sum3A_639, %pad3A_642 in 0 : vector<1000xf32>, vector<24xf32> -> vector<1024xf32>
    %reshape3A_644 = vector.shape_cast %pad3A_643 : vector<1024xf32> to vector<8x128xf32>
    %swap3A_645 = arith.constant 112 : index
    %swap3A_646 = arith.constant 0 : index
    %swap3A_647 = vector.load %arg2[%swap3A_645, %swap3A_646] : memref<128x128xf32, #tpu.memory_space<vmem>>, vector<8x128xf32>
    tpu.vector_store %arg2[%swap3A_645, %swap3A_646], %reshape3A_644 {strides = array<i32>} : memref<128x128xf32, #tpu.memory_space<vmem>>, vector<8x128xf32>,
    %dma_wait3A_648 = arith.constant 7 : i32
    %dma_wait3A_649 = arith.constant 7 : i32
    %dma_wait3A_650 = tpu.memref_slice %arg5[%dma_wait3A_649] : memref<8x!tpu.dma_semaphore, #tpu.memory_space<semaphore_mem>> -> memref<1x!tpu.dma_semaphore, #tpu.memory_space<semaphore_mem>>
    %dma_wait3A_651 = tpu.memref_squeeze %dma_wait3A_650 : memref<1x!tpu.dma_semaphore, #tpu.memory_space<semaphore_mem>> -> memref<!tpu.dma_semaphore, #tpu.memory_space<semaphore_mem>>
    %dma_wait3A_652 = arith.constant 0 : i32
    %dma_wait3A_653 = arith.constant 0 : i32
    %dma_wait3A_654 = arith.constant 0 : i32
    %dma_wait3A_655 = tpu.memref_slice %arg4[%dma_wait3A_648, %dma_wait3A_652, %dma_wait3A_653, %dma_wait3A_654] : memref<8x1x576x1000xf32, #tpu.memory_space<vmem>> -> memref<1x1x576x1000xf32, #tpu.memory_space<vmem>>
    %dma_wait3A_656 = tpu.memref_squeeze %dma_wait3A_655 : memref<1x1x576x1000xf32, #tpu.memory_space<vmem>> -> memref<1x576x1000xf32, #tpu.memory_space<vmem>>
    %dma_wait3A_657 = arith.constant 15 : i32
    %dma_wait3A_658 = arith.constant 0 : i32
    %dma_wait3A_659 = arith.constant 0 : i32
    %dma_wait3A_660 = tpu.memref_slice %arg0[%dma_wait3A_657, %dma_wait3A_658, %dma_wait3A_659] : memref<16x576x1000xf32, #tpu.memory_space<any>> -> memref<1x576x1000xf32, #tpu.memory_space<any>>
    tpu.wait_dma2 semaphore(%dma_wait3A_651 : memref<!tpu.dma_semaphore, #tpu.memory_space<semaphore_mem>>) src(%dma_wait3A_660 : memref<1x576x1000xf32, #tpu.memory_space<any>>) dst(%dma_wait3A_656 : memref<1x576x1000xf32, #tpu.memory_space<vmem>>)
    %get3A_661 = arith.constant 7 : index
    %get3A_662 = arith.constant 0 : index
    %get3A_663 = arith.constant 0 : index
    %get3A_664 = arith.constant 0 : index
    %get3A_665 = vector.load %arg4[%get3A_661, %get3A_662, %get3A_663, %get3A_664] : memref<8x1x576x1000xf32, #tpu.memory_space<vmem>>, vector<1x1x576x1000xf32>
    %get3A_666 = vector.shape_cast %get3A_665 : vector<1x1x576x1000xf32> to vector<1x576x1000xf32>
    %reduce_sum3A_667 = arith.constant dense<0.000000e+00> : vector<1000xf32>
    %reduce_sum3A_668 = vector.multi_reduction <add>, %get3A_666, %reduce_sum3A_667 [0, 1] : vector<1x576x1000xf32> to vector<1000xf32>
    %jit3A_669 = arith.constant 0 : i32
    %convert_element_type3A_670 = arith.sitofp %jit3A_669 : i32 to f32
    %pad3A_671 = vector.broadcast %convert_element_type3A_670 : f32 to vector<24xf32>
    %pad3A_672 = tpu.concatenate %reduce_sum3A_668, %pad3A_671 in 0 : vector<1000xf32>, vector<24xf32> -> vector<1024xf32>
    %reshape3A_673 = vector.shape_cast %pad3A_672 : vector<1024xf32> to vector<8x128xf32>
    %swap3A_674 = arith.constant 120 : index
    %swap3A_675 = arith.constant 0 : index
    %swap3A_676 = vector.load %arg2[%swap3A_674, %swap3A_675] : memref<128x128xf32, #tpu.memory_space<vmem>>, vector<8x128xf32>
    tpu.vector_store %arg2[%swap3A_674, %swap3A_675], %reshape3A_673 {strides = array<i32>} : memref<128x128xf32, #tpu.memory_space<vmem>>, vector<8x128xf32>,
    return
  }
}

module attributes {stable_mosaic.version = 14 : i64} {
  func.func @body(%arg0: memref<128x128xf32, #tpu.memory_space<vmem>>, %arg1: memref<128x128xf32, #tpu.memory_space<vmem>>, %arg2: memref<1x1xf32, #tpu.memory_space<vmem>>, %arg3: memref<1x1xf32, #tpu.memory_space<vmem>>) attributes {dimension_semantics = [], scalar_prefetch = 0 : i64, scratch_operands = 0 : i64, tpu.core_type = #tpu.core_type<tc>} {
    %get3A = arith.constant 0 : index
    %get3A_0 = arith.constant 0 : index
    %get3A_1 = vector.load %arg0[%get3A, %get3A_0] : memref<128x128xf32, #tpu.memory_space<vmem>>, vector<128x128xf32>
    %get3A_2 = arith.constant 0 : index
    %get3A_3 = arith.constant 0 : index
    %get3A_4 = vector.load %arg1[%get3A_2, %get3A_3] : memref<128x128xf32, #tpu.memory_space<vmem>>, vector<128x128xf32>
    %mul3A = arith.mulf %get3A_1, %get3A_4 : vector<128x128xf32>
    %reduce_sum3A = vector.shape_cast %mul3A : vector<128x128xf32> to vector<1x128x128xf32>
    %reduce_sum3A_5 = arith.constant dense<0.000000e+00> : vector<1xf32>
    %reduce_sum3A_6 = vector.multi_reduction <add>, %reduce_sum3A, %reduce_sum3A_5 [1, 2] : vector<1x128x128xf32> to vector<1xf32>
    %reduce_sum3A_7 = vector.shape_cast %reduce_sum3A_6 : vector<1xf32> to vector<1x1x1xf32>
    %reduce_sum3A_8 = vector.extract %reduce_sum3A_7[0, 0, 0] : f32 from vector<1x1x1xf32>
    %get3A_9 = arith.constant 0 : index
    %get3A_10 = arith.constant 0 : index
    %get3A_11 = vector.load %arg2[%get3A_9, %get3A_10] : memref<1x1xf32, #tpu.memory_space<vmem>>, vector<1x1xf32>
    %reduce_sum3A_12 = vector.shape_cast %get3A_11 : vector<1x1xf32> to vector<1x1x1xf32>
    %reduce_sum3A_13 = arith.constant dense<0.000000e+00> : vector<1xf32>
    %reduce_sum3A_14 = vector.multi_reduction <add>, %reduce_sum3A_12, %reduce_sum3A_13 [1, 2] : vector<1x1x1xf32> to vector<1xf32>
    %reduce_sum3A_15 = vector.shape_cast %reduce_sum3A_14 : vector<1xf32> to vector<1x1x1xf32>
    %reduce_sum3A_16 = vector.extract %reduce_sum3A_15[0, 0, 0] : f32 from vector<1x1x1xf32>
    %add3A = arith.addf %reduce_sum3A_8, %reduce_sum3A_16 : f32
    %mul3A_17 = arith.constant 1.08506945E-4 : f32
    %mul3A_18 = arith.mulf %add3A, %mul3A_17 : f32
    %reshape3A = vector.broadcast %mul3A_18 : f32 to vector<1x1xf32>
    %swap3A = arith.constant 0 : index
    %swap3A_19 = arith.constant 0 : index
    %swap3A_20 = vector.load %arg3[%swap3A, %swap3A_19] : memref<1x1xf32, #tpu.memory_space<vmem>>, vector<1x1xf32>
    tpu.vector_store %arg3[%swap3A, %swap3A_19], %reshape3A {strides = array<i32>} : memref<1x1xf32, #tpu.memory_space<vmem>>, vector<1x1xf32>,
    return
  }
}

</mosaic_0001>

<sc_bundles>
// kernel: kernel.5.cloned.1.call-start
scs
__scs_entry_jumppad:
0x0: {  	(pc) =	sbr.rel $0x88, $3  }
0x1: {  	(tag) =	ssettag $0x0;
	lr =	simm.s32 $0x1  }
0x2: {  	[smem:$0x3F9E] =	sst lr;
	_ =	strace $0xD0000000  }
0x3: {  	_ = 	snop  }
0x4: {  	_ = 	snop  }
0x5: {  	_ = 	snop  }
0x6: {  	_ = 	snop  }
0x7: {  	_ = 	snop  }
__scs_overlays_trampoline_lowered:
0x8: {  	[smem:$0x3FAD] =	sst s0  }
0x9: {  	[smem:$0x3FAE] =	sst s1  }
0xa: {  	[smem:$0x3FAF] =	sst s2  }
0xb: {  	[smem:$0x3FB0] =	sst s3  }
0xc: {  	[smem:$0x3FB1] =	sst s4  }
0xd: {  	[smem:$0x3FB2] =	sst s5  }
0xe: {  	[smem:$0x3FB3] =	sst s6  }
0xf: {  	[smem:$0x3FB4] =	sst s7  }
0x10: {  	[smem:$0x3FB5] =	sst s8  }
0x11: {  	[smem:$0x3FB6] =	sst s9;
	s0 =	simm.s32 @!p0 $0x0  }
0x12: {  	s1 =	sld [smem:$0x3F9C];
	s0 =	simm.s32 @p0 $0x1  }
0x13: {  	[smem:$0x3FB7] =	sst s0;
	s0 =	simm.s32 @!p1 $0x0  }
0x14: {  	s2 =	sld [smem:$0x3F9B];
	s0 =	simm.s32 @p1 $0x1  }
0x15: {  	[smem:$0x3FB8] =	sst s0;
	s0 =	simm.s32 @!p2 $0x0  }
0x16: {  	s3 =	sld [smem:$0x3FDB];
	s0 =	simm.s32 @p2 $0x1  }
0x17: {  	s4 =	simm.s32 $0x1BF5;
	[smem:$0x3FBA] =	sst s0  }
0x18: {  	s0 =	sld [smem:$0x3F9D];
	_ =	swait.ge [sflag:s4], $0x0  }
0x19: {  	s7 =	sld [smem:$0x3F9E]  }
0x1a: {  	s8 =	sadd.s32 $0xFFFFE003, lr  }
0x1b: {  	s9 =	sadd.s32 $0xFFFFFEF7, lr;
	s5 =	simm.s32 $0xFFFFFFFF;
	p2 =	slt.u32 s8, $0xFFFFF086  }
0x1c: {  	p1 =	slt.u32 s9, $0xF7A;
	s5 =	simm.s32 @!p2 $0x0  }
0x1d: {  	s5 =	simm.s32 @p1 $0x1;
	p0 =	seq.s32 s7, s2  }
0x1e: {  	s7 =	smul.u32 @!p0 $0xF7A, s2;
	p2 =	seq.s32 @!p0 s5, $0x0  }
0x1f: {  	s9 =	smul.u32 $0xF7A, s1;
	s8 =	simm.s32 @!p0 $0x1BF5;
	p2 =	por !p2, p0  }
0x20: {  	[sflag:s8] =	ssyncset.s32 @!p0 $0xFFFFF086;
	s6 =	sadd.s32 @!p0 s3, s7;
	s7 =	simm.s32 @!p0 $0x108  }
0x21: {  	s3 =	sadd.s32 s3, s9;
	s6 =	sadd.s32 @!p0 $0x88, s6;
	s7 =	simm.s32 @p2 $0x1082  }
0x22: {  	[simem:s7], [sflag:s8] =	dma.local @!p0 [hbm:s6], $0xF7A  }
0x23: {  	s9 =	sor.u32 $0xD0000000, s2;
	s6 =	simm.s32 $0x108;
	_ =	swait.ge @!p0 [sflag:s8], $0x0  }
0x24: {  	s3 =	sadd.s32 $0x88, s3;
	s6 =	simm.s32 @!p1 $0x1082;
	[sflag:s4] =	ssyncset.s32 $0xFFFFF086  }
0x25: {  	[simem:s6], [sflag:s4] =	dma.local [hbm:s3], $0xF7A  }
0x26: {  	[smem:$0x3F9E] =	sst s1;
	(tag) =	ssettag s2;
	_ =	strace s9  }
0x27: {  	s1 =	sld [smem:$0x3FAE]  }
0x28: {  	s2 =	sld [smem:$0x3FAF]  }
0x29: {  	s4 =	sld [smem:$0x3FB1]  }
0x2a: {  	p0 =	seq.s32 s5, $0x0;
	s5 =	sld [smem:$0x3FB2]  }
0x2b: {  	s6 =	sld [smem:$0x3FB3]  }
0x2c: {  	s7 =	sld [smem:$0x3FB4]  }
0x2d: {  	s3 =	simm.s32 $0x108;
	s8 =	sld [smem:$0x3FB5]  }
0x2e: {  	s3 =	simm.s32 @!p0 $0x1082;
	s9 =	sld [smem:$0x3FB6]  }
0x2f: {  	lr =	sadd.s32 s0, s3;
	s0 =	sld [smem:$0x3FAD]  }
0x30: {  	s3 =	sld [smem:$0x3FB0]  }
0x31: {  	[smem:$0x3FB9] =	sst s10  }
0x32: {  	s10 =	sld [smem:$0x3FB7];
	_ =	sdelay $0x3  }
0x33: {  	p0 =	seq.s32 s10, $0x1;
	s10 =	sld [smem:$0x3FB9];
	_ =	sdelay $0x3  }
0x34: {  	[smem:$0x3FB9] =	sst s10  }
0x35: {  	s10 =	sld [smem:$0x3FB8];
	_ =	sdelay $0x3  }
0x36: {  	p1 =	seq.s32 s10, $0x1;
	s10 =	sld [smem:$0x3FB9];
	_ =	sdelay $0x3  }
0x37: {  	[smem:$0x3FB9] =	sst s10  }
0x38: {  	s10 =	sld [smem:$0x3FBA]  }
0x39: {  	_ = 	snop;
	(pc) =	sbr.ind lr, $3  }
0x3a: {  	_ = 	snop  }
0x3b: {  	_ = 	snop  }
0x3c: {  	p2 =	seq.s32 s10, $0x1;
	s10 =	sld [smem:$0x3FB9]  }
0x3d: {  	_ =	shalt  }
0x3e: {  	_ =	shalt  }
0x3f: {  	_ =	shalt  }
0x40: {  	_ =	shalt  }
0x41: {  	_ =	shalt  }
0x42: {  	_ =	shalt  }
0x43: {  	_ =	shalt  }
0x44: {  	_ =	shalt  }
0x45: {  	_ =	shalt  }
0x46: {  	_ =	shalt  }
0x47: {  	_ =	shalt  }
0x48: {  	_ =	shalt  }
0x49: {  	_ =	shalt  }
0x4a: {  	_ =	shalt  }
0x4b: {  	_ =	shalt  }
0x4c: {  	_ =	shalt  }
0x4d: {  	_ =	shalt  }
0x4e: {  	_ =	shalt  }
0x4f: {  	_ =	shalt  }
0x50: {  	_ =	shalt  }
0x51: {  	_ =	shalt  }
0x52: {  	_ =	shalt  }
0x53: {  	_ =	shalt  }
0x54: {  	_ =	shalt  }
0x55: {  	_ =	shalt  }
0x56: {  	_ =	shalt  }
0x57: {  	_ =	shalt  }
0x58: {  	_ =	shalt  }
0x59: {  	_ =	shalt  }
0x5a: {  	_ =	shalt  }
0x5b: {  	_ =	shalt  }
0x5c: {  	_ =	shalt  }
0x5d: {  	_ =	shalt  }
0x5e: {  	_ =	shalt  }
0x5f: {  	_ =	shalt  }
0x60: {  	_ =	shalt  }
0x61: {  	_ =	shalt  }
0x62: {  	_ =	shalt  }
0x63: {  	_ =	shalt  }
0x64: {  	_ =	shalt  }
0x65: {  	_ =	shalt  }
0x66: {  	_ =	shalt  }
0x67: {  	_ =	shalt  }
0x68: {  	_ =	shalt  }
0x69: {  	_ =	shalt  }
0x6a: {  	_ =	shalt  }
0x6b: {  	_ =	shalt  }
0x6c: {  	_ =	shalt  }
0x6d: {  	_ =	shalt  }
0x6e: {  	_ =	shalt  }
0x6f: {  	_ =	shalt  }
0x70: {  	_ =	shalt  }
0x71: {  	_ =	shalt  }
0x72: {  	_ =	shalt  }
0x73: {  	_ =	shalt  }
0x74: {  	_ =	shalt  }
0x75: {  	_ =	shalt  }
0x76: {  	_ =	shalt  }
0x77: {  	_ =	shalt  }
0x78: {  	_ =	shalt  }
0x79: {  	_ =	shalt  }
0x7a: {  	_ =	shalt  }
0x7b: {  	_ =	shalt  }
0x7c: {  	_ =	shalt  }
0x7d: {  	_ =	shalt  }
0x7e: {  	_ =	shalt  }
0x7f: {  	_ =	shalt  }
0x80: {  	_ =	shalt  }
0x81: {  	_ =	shalt  }
0x82: {  	_ =	shalt  }
0x83: {  	_ =	shalt  }
0x84: {  	_ =	shalt  }
0x85: {  	_ =	shalt  }
0x86: {  	_ =	shalt  }
0x87: {  	_ =	shalt  }
.Lfunc_end0:
.L_simem_size_0:
called_computation_lowered:
.L_overlay_start_0:
0x88: {  	s0 =	sld [smem:$0x3FD9]  }
0x89: {  	s1 =	sld [smem:$0x3FFE];
	_ =	sdelay $0x3  }
0x8a: {  	s0 =	sadd.s32 s1, s0  }
0x8b: {  	[smem:$0x3FC5] =	sst s0  }
0x8c: {  	_ = 	snop  }
0x8d: {  	(tm) =	ssettm $0x1  }
0x8e: {  	s15 =	sld [smem:$0x3FFB];
	_ =	sdelay $0x3  }
0x8f: {  	_ =	strace s15  }
0x90: {  	s0 =	sld [smem:$0x3FFC];
	_ =	sdelay $0x3  }
0x91: {  	_ =	strace s0  }
0x92: {  	s0 =	sld [smem:$0x3FFD];
	_ =	sdelay $0x3  }
0x93: {  	_ =	strace s0  }
0x94: {  	_ =	strace $0x8FFFFFFF  }
0x95: {  	s16 =	sld [smem:$0x3FDB];
	_ =	sdelay $0x1  }
0x96: {  	s17 =	simm.s32 $_scs_section_size  }
0x97: {  	s2 =	simm.s32 $_size__tile_overlayer_lowered;
	s3 =	simm.s32 $_tile_overlayer_lowered  }
0x98: {  	s20 =	simm.s32 $0x1BFF;
	s19 =	sshll.u32 s3, $0x1;
	s0 =	sadd.s32 s17, s16  }
0x99: {  	s4 =	simm.s32 $0x0;
	s18 =	sshll.u32 s2, $0x1;
	s2 =	sadd.s32 s19, s0  }
0x9a: {  	[timem:s4], [sflag:s20] =	dma.local [hbm:s2], s18  }
0x9b: {  	_ =	swait.ge [sflag:s20], s18  }
0x9c: {  	s1 =	ssub.s32 $0x0, s18;
	[sflag:s20] =	ssyncset.done $0x0  }
0x9d: {  	[sflag:s20] =	ssyncadd.s32 s1;
	_ =	sdelay $0x1  }
0x9e: {  	s21 =	simm.s32 $0x1B8B  }
0x9f: {  	_ =	swait.ge [sflag:s21], $0x1  }
0xa0: {  	[sflag:s21] =	ssyncset.done $0x0  }
0xa1: {  	s23 =	simm.s32 $0x1B8E;
	s22 =	sld [smem:$0x3FFE];
	[sflag:s21] =	ssyncadd.s32 $0xFFFFFFFF  }
0xa2: {  	s24 =	simm.s32 $execute0_lowered;
	[smem:$0x3FD2] =	sst s23  }
0xa3: {  	s2 =	sshll.u32 s24, $0x1;
	_ =	strace $0x80000046;
	[dreg:$0x1] =	wrdreg $0xFFFFFFFF  }
0xa4: {  	s25 =	simm.s32 $_size_execute0_lowered;
	s0 =	sadd.s32 s0, s2;
	[dreg:$0x0] =	wrdreg $0x0  }
0xa5: {  	s2 =	sshll.u32 s25, $0x1;
	[dreg:$0x2] =	wrdreg s0  }
0xa6: {  	[dreg:$0x3] =	wrdreg s2  }
0xa7: {  	[dreg:$0x4] =	wrdreg $0xC0  }
0xa8: {  	_ =	task [dreg:s4], $0x5FFFF  }
0xa9: {  	[dreg:$0x1] =	wrdreg $0xFFFFFFFF  }
0xaa: {  	[dreg:$0x0] =	wrdreg $0x60  }
0xab: {  	[dreg:$0x2] =	wrdreg s22  }
0xac: {  	[dreg:$0x3] =	wrdreg $0x9  }
0xad: {  	_ =	task.clear_ibuf [dreg:s4], $0x4FFFF;
	_ =	strace $0x90000046  }
0xae: {  	s26 =	simm.s32 $0x9;
	_ =	strace $0x80000048  }
0xaf: {  	_ =	swait.ge [sflag:s26], $0x1  }
0xb0: {  	[sflag:s26] =	ssyncadd.s32 $0xFFFFFFFF  }
0xb1: {  	_ =	strace $0x90000048  }
0xb2: {  	_ =	sfence  }
0xb3: {  	s28 =	sld [smem:$0x0];
	_ =	sdelay $0x1  }
0xb4: {  	s29 =	srdreg.scid  }
0xb5: {  	s30 =	sshll.u32 s29, $0xD;
	s31 =	sshrl.u32 s29, $0x2  }
0xb6: {  	s1 =	sand.u32 $0x1, s29;
	s2 =	sand.u32 $0x4000, s30;
	s0 =	sadd.s32 s31, s28  }
0xb7: {  	s1 =	sor.u32 s2, s1;
	s0 =	sshll.u32 s0, $0x11  }
0xb8: {  	s0 =	sor.u32 s0, s1  }
0xb9: {  	s0 =	sadd.s32 $0x8F2B, s0  }
0xba: {  	[sflag:s0] =	ssyncadd.remote.s32 $0x1  }
0xbb: {  	_ =	sfence.sel $0xFFFF  }
0xbc: {  	[dreg:$0x0] =	wrdreg $0xFFFFFFFF;
	(pc) =	sbr.abs _section_cstart, $3  }
0xbd: {  	[dreg:$0x1] =	wrdreg $0xFFFFFFFF  }
0xbe: {  	_ =	task.clear_ibuf [dreg:s4], $0x2FFFF;
	_ =	strace $0x9FFFFFFF  }
0xbf: {  	(tm) =	ssettm $0x7FFFFFFF  }
tec
execute0_lowered:
.L_overlay_start_1:
0x0: {  	(tag) =	ssettag $0x1  }
0x1: {  	s0 =	stileid.u32  }
0x2: {  	s3 =	rddreg [dreg:$0x0];
	s4 =	smul.u32 $0x7D, s0  }
0x3: {  	s1 =	rddreg [dreg:$0x1];
	s2 =	simm.s32 $0x0  }
0x4: {  	[smem:$0x7FF] =	sst s2;
	s4 =	sadd.s32 s4, s3  }
0x5: {  	s31 =	simm.s32 $0x1;
	_ =	strace $0x80000047;
	s4 =	sadd.s32 $0xA00, s4  }
0x6: {  	[tilespmem:s2], [sflag:$0x1] =	stream.linear.gather [hbm4b:s4+s2], $0x3E8, $0x38;
	[tilespmem:$0x800] =	vst v63  }
0x7: {  	_ =	swait.ge [sflag:s31], $0x3E8  }
0x8: {  	[sflag:s31] =	ssyncset.done $0x0  }
0x9: {  	v1 =	vimm.f32 $0.0e+00;
	[sflag:s31] =	ssyncadd.s32 $0xFFFFFC18  }
0xa: {  	[tilespmem:$0x400] =	vst v1  }
0xb: {  	[tilespmem:$0x410] =	vst v1  }
0xc: {  	[tilespmem:$0x420] =	vst v1  }
0xd: {  	[tilespmem:$0x430] =	vst v1  }
0xe: {  	[tilespmem:$0x440] =	vst v1  }
0xf: {  	[tilespmem:$0x450] =	vst v1  }
0x10: {  	[tilespmem:$0x460] =	vst v1  }
0x11: {  	[tilespmem:$0x470] =	vst v1  }
0x12: {  	[tilespmem:$0x480] =	vst v1  }
0x13: {  	[tilespmem:$0x490] =	vst v1  }
0x14: {  	[tilespmem:$0x4A0] =	vst v1  }
0x15: {  	[tilespmem:$0x4B0] =	vst v1  }
0x16: {  	[tilespmem:$0x4C0] =	vst v1  }
0x17: {  	[tilespmem:$0x4D0] =	vst v1  }
0x18: {  	[tilespmem:$0x4E0] =	vst v1  }
0x19: {  	[tilespmem:$0x4F0] =	vst v1  }
0x1a: {  	[tilespmem:$0x500] =	vst v1  }
0x1b: {  	[tilespmem:$0x510] =	vst v1  }
0x1c: {  	[tilespmem:$0x520] =	vst v1  }
0x1d: {  	[tilespmem:$0x530] =	vst v1  }
0x1e: {  	[tilespmem:$0x540] =	vst v1  }
0x1f: {  	[tilespmem:$0x550] =	vst v1  }
0x20: {  	[tilespmem:$0x560] =	vst v1  }
0x21: {  	[tilespmem:$0x570] =	vst v1  }
0x22: {  	[tilespmem:$0x580] =	vst v1  }
0x23: {  	[tilespmem:$0x590] =	vst v1  }
0x24: {  	[tilespmem:$0x5A0] =	vst v1  }
0x25: {  	[tilespmem:$0x5B0] =	vst v1  }
0x26: {  	[tilespmem:$0x5C0] =	vst v1  }
0x27: {  	[tilespmem:$0x5D0] =	vst v1  }
0x28: {  	[tilespmem:$0x5E0] =	vst v1  }
0x29: {  	[tilespmem:$0x5F0] =	vst v1  }
0x2a: {  	[tilespmem:$0x600] =	vst v1  }
0x2b: {  	[tilespmem:$0x610] =	vst v1  }
0x2c: {  	[tilespmem:$0x620] =	vst v1  }
0x2d: {  	[tilespmem:$0x630] =	vst v1  }
0x2e: {  	[tilespmem:$0x640] =	vst v1  }
0x2f: {  	[tilespmem:$0x650] =	vst v1  }
0x30: {  	[tilespmem:$0x660] =	vst v1  }
0x31: {  	[tilespmem:$0x670] =	vst v1  }
0x32: {  	[tilespmem:$0x680] =	vst v1  }
0x33: {  	[tilespmem:$0x690] =	vst v1  }
0x34: {  	[tilespmem:$0x6A0] =	vst v1  }
0x35: {  	[tilespmem:$0x6B0] =	vst v1  }
0x36: {  	[tilespmem:$0x6C0] =	vst v1  }
0x37: {  	[tilespmem:$0x6D0] =	vst v1  }
0x38: {  	[tilespmem:$0x6E0] =	vst v1  }
0x39: {  	[tilespmem:$0x6F0] =	vst v1  }
0x3a: {  	[tilespmem:$0x700] =	vst v1  }
0x3b: {  	[tilespmem:$0x710] =	vst v1  }
0x3c: {  	[tilespmem:$0x720] =	vst v1  }
0x3d: {  	[tilespmem:$0x730] =	vst v1  }
0x3e: {  	[tilespmem:$0x740] =	vst v1  }
0x3f: {  	[tilespmem:$0x750] =	vst v1  }
0x40: {  	[tilespmem:$0x760] =	vst v1  }
0x41: {  	[tilespmem:$0x770] =	vst v1  }
0x42: {  	[tilespmem:$0x780] =	vst v1  }
0x43: {  	[tilespmem:$0x790] =	vst v1  }
0x44: {  	v0 =	vld [tilespmem:$0x3E0];
	[tilespmem:$0x7A0] =	vst v1  }
0x45: {  	[tilespmem:$0x7B0] =	vst v1  }
0x46: {  	[tilespmem:$0x7C0] =	vst v1  }
0x47: {  	[tilespmem:$0x7D0] =	vst v1  }
0x48: {  	vm0 =	vmmov $0xff;
	[tilespmem:$0x7E0] =	vst v1  }
0x49: {  	[tilespmem:$0x7F0] =	vst v1;
	v0 =	vnsel vm0, $0xFF800000, v0  }
0x4a: {  	[tilespmem:$0x3E0] =	vst v0;
	v0 =	vimm.f32 $-Inf  }
0x4b: {  	v2 =	vimm.f32 $1.000000000e+00;
	s5 =	simm.s32 $0x0;
	s3 =	sadd.s32 $0x1200, s3;
	s4 =	simm.s32 $0x400;
	v1 =	vlaneseq.u32;
	[tilespmem:$0x3F0] =	vst v0  }
.LBB2_1:
0x4c: {  	s6 =	simm.s32 $0x40  }
0x4d: {  	v3 =	vld [tilespmem:s6+$0xFFFFFFC0];
	_ =	sdelay $0x1  }
0x4e: {  	v4 =	vld [tilespmem:s6+$0xFFFFFFD0];
	_ =	sdelay $0x1  }
0x4f: {  	v5 =	vld [tilespmem:s6+$0xFFFFFFE0]  }
0x50: {  	vm0 =	vgt.f32 v3, v0  }
0x51: {  	v6 =	vld [tilespmem:s6+$0xFFFFFFF0];
	v3 =	vsel vm0, v3, v0  }
0x52: {  	vm1 =	vgt.f32 v4, v3  }
0x53: {  	v3 =	vsel vm1, v4, v3  }
0x54: {  	vm2 =	vgt.f32 v5, v3  }
0x55: {  	v8 =	vor.u32 s2, v1;
	s7 =	simm.s32 $0x10;
	v7 =	vld [tilespmem:s6+$0x0];
	v4 =	vimm.s32 $0x40000000;
	v5 =	vsel vm2, v5, v3  }
0x56: {  	s29 =	simm.s32 $0x20;
	v4 =	vsel vm0, v8, v4;
	v8 =	vor.u32 s7, v1;
	vm0 =	vgt.f32 v6, v5  }
0x57: {  	s30 =	simm.s32 $0x30;
	v3 =	vld [tilespmem:s6+$0x10];
	v4 =	vsel vm1, v8, v4;
	v5 =	vsel vm0, v6, v5;
	v6 =	vor.u32 s29, v1  }
0x58: {  	v4 =	vsel vm2, v6, v4;
	v6 =	vor.u32 s30, v1  }
0x59: {  	v6 =	vsel vm0, v6, v4;
	v4 =	vld [tilespmem:s6+$0x20]  }
0x5a: {  	s31 =	simm.s32 $0x40;
	vm1 =	vgt.f32 v7, v5  }
0x5b: {  	s8 =	simm.s32 $0x50;
	v8 =	vor.u32 s31, v1;
	v7 =	vsel vm1, v7, v5;
	v5 =	vld [tilespmem:s6+$0x30]  }
0x5c: {  	s7 =	simm.s32 $0x0;
	s6 =	simm.s32 $0x0;
	v6 =	vsel vm1, v8, v6;
	v8 =	vor.u32 s8, v1;
	vm0 =	vgt.f32 v3, v7;
	s8 =	simm.s32 $0xC0  }
.LBB2_2:
0x5d: {  	v9 =	vld [tilespmem:s8+$0xFFFFFFC0];
	s7 =	sadd.s32 $0x8, s7;
	v3 =	vsel vm0, v3, v7;
	v6 =	vsel vm0, v8, v6;
	s9 =	sadd.s32 $0x60, s6  }
0x5e: {  	p0 =	slt.u32 s7, $0x38;
	v7 =	vor.u32 s9, v1;
	vm0 =	vgt.f32 v4, v3  }
0x5f: {  	s9 =	sadd.s32 $0x70, s6;
	v8 =	vld [tilespmem:s8+$0xFFFFFFD0];
	v3 =	vsel vm0, v4, v3;
	v4 =	vsel vm0, v7, v6  }
0x60: {  	v6 =	vor.u32 s9, v1;
	vm0 =	vgt.f32 v5, v3  }
0x61: {  	s6 =	sadd.s32 $0x80, s6;
	v7 =	vld [tilespmem:s8+$0xFFFFFFE0];
	v3 =	vsel vm0, v5, v3;
	v4 =	vsel vm0, v6, v4  }
0x62: {  	v5 =	vor.u32 s6, v1;
	vm0 =	vgt.f32 v9, v3  }
0x63: {  	s9 =	sadd.s32 $0x10, s6;
	v3 =	vsel vm0, v9, v3;
	v4 =	vsel vm0, v5, v4;
	v5 =	vld [tilespmem:s8+$0xFFFFFFF0]  }
0x64: {  	v6 =	vor.u32 s9, v1;
	vm0 =	vgt.f32 v8, v3  }
0x65: {  	s9 =	sadd.s32 $0x20, s6;
	v3 =	vsel vm0, v8, v3;
	v4 =	vsel vm0, v6, v4;
	v6 =	vld [tilespmem:s8+$0x0]  }
0x66: {  	v8 =	vor.u32 s9, v1;
	vm0 =	vgt.f32 v7, v3  }
0x67: {  	s9 =	sadd.s32 $0x30, s6;
	v7 =	vsel vm0, v7, v3;
	v4 =	vsel vm0, v8, v4;
	v3 =	vld [tilespmem:s8+$0x10]  }
.Ltmp0:
0x68: {  	v8 =	vor.u32 s9, v1;
	vm0 =	vgt.f32 v5, v7;
	(pc) =	sbr.rel @p0 .LBB2_2-.Ltmp0, $4  }
0x69: {  	s9 =	sadd.s32 $0x40, s6;
	v5 =	vsel vm0, v5, v7;
	v8 =	vsel vm0, v8, v4;
	v4 =	vld [tilespmem:s8+$0x20]  }
0x6a: {  	v9 =	vor.u32 s9, v1;
	vm0 =	vgt.f32 v6, v5  }
0x6b: {  	s9 =	sadd.s32 $0x50, s6;
	v7 =	vsel vm0, v6, v5;
	v6 =	vsel vm0, v9, v8;
	v5 =	vld [tilespmem:s8+$0x30]  }
0x6c: {  	v8 =	vor.u32 s9, v1;
	s8 =	sadd.s32 $0x80, s8;
	vm0 =	vgt.f32 v3, v7  }
0x6d: {  	v3 =	vsel vm0, v3, v7  }
0x6e: {  	vm1 =	vgt.f32 v4, v3  }
0x6f: {  	v3 =	vsel vm1, v4, v3  }
0x70: {  	vm2 =	vgt.f32 v5, v3  }
0x71: {  	v3 =	vsel vm2, v5, v3  }
0x72: {  	(xrf0) =	vmax.scan.msk.f32 $0xffff, v3;
	_ =	sdelay $0x4  }
0x73: {  	s7 =	sadd.s32 $0x60, s6  }
0x74: {  	v60 =	vsel vm0, v8, v6;
	s30 =	sadd.s32 $0x70, s6;
	v61 =	vor.u32 s7, v1;
	v62, _, _ =	vpop (xrf0)  }
0x75: {  	v63 =	vor.u32 s30, v1;
	v4 =	vsel vm1, v61, v60;
	v6 =	vbroadcast v62, $0xF  }
0x76: {  	v4 =	vsel vm2, v63, v4  }
0x77: {  	vm15 =	veq.f32 v3, v6;
	v3 =	vxor.u32 $0x80000000, v4  }
0x78: {  	v3 =	vnsel vm15, $0xC0000000, v3  }
0x79: {  	(xrf0) =	vmin.scan.msk.u32 $0xffff, v3;
	_ =	sdelay $0x5  }
0x7a: {  	v3, _, _ =	vpop (xrf0)  }
0x7b: {  	(v2sf) =	vpush v3, $0xF;
	_ =	sdelay $0xe  }
0x7c: {  	s31 =	spop (v2sf)  }
0x7d: {  	s6 =	sxor.u32 $0x80000000, s31  }
0x7e: {  	s5 =	sadd.s32 $0x1, s5;
	v3 =	vmov s6  }
0x7f: {  	p0 =	sne.s32 s5, $0x19  }
.Ltmp1:
0x80: {  	_ = 	snop;
	(pc) =	sbr.rel @p0 .LBB2_1-.Ltmp1, $3  }
0x81: {  	_ =	sdelay $0x1  }
0x82: {  	[tilespmem:v3+s4+$0x0] =	vst.idx.msk $0x1, v2  }
0x83: {  	[tilespmem:v3+s2+$0x0] =	vst.idx.msk $0x1, v0  }
0x84: {  	s2 =	sshll.u32 s0, $0x7;
	s30 =	simm.s32 $0x0  }
0x85: {  	s4 =	simm.s32 $0x400;
	s31 =	simm.s32 $0x1;
	s2 =	sadd.s32 s3, s2  }
0x86: {  	[hbm4b:s2+s30] =	stream.linear.scatter [tilespmem:s4], [sflag:$0x1], $0x400, $0x38;
	[tilespmem:$0x800] =	vst v63  }
0x87: {  	_ =	swait.ge [sflag:s31], $0x400  }
0x88: {  	[sflag:s31] =	ssyncset.done $0x0  }
0x89: {  	[sflag:s31] =	ssyncadd.s32 $0xFFFFFC00  }
0x8a: {  	_ =	sfence.sel $0x180000  }
0x8b: {  	[bflag:$0x0] =	sbarrier.arrive $0xFFFF  }
0x8c: {  	p0 =	sne.s32 s0, $0x0;
	_ =	strace $0x90000047  }
0x8d: {  	s0 =	sadd.s32 @!p0 $0x100000, s1;
	[bflag:$0x2] =	sbarrier.arrive $0xFFFF  }
0x8e: {  	[sflag:s0] =	ssyncadd.tile.s32 @!p0 $0x1;
	_ =	shalt  }
.Lfunc_end2:
_tile_overlayer_lowered:
.L_overlay_start_2:
0x8f: {  	(tag) =	ssettag $0x2  }
0x90: {  	s0 =	rddreg [dreg:$0x0];
	s2 =	stileid.u32  }
0x91: {  	s1 =	rddreg [dreg:$0x1];
	p0 =	sne.s32 s2, $0x0  }
0x92: {  	s3 =	rddreg [dreg:$0x2];
	[bflag:$0x3] =	sbarrier.arrive $0xFFFF;
	s2 =	simm.s32 @!p0 $0x1C01  }
0x93: {  	[timem:s3], [sflag:s2] =	dma.local @!p0 [hbm:s0], s1  }
0x94: {  	s0 =	simm.s32 @!p0 $0x1  }
0x95: {  	_ =	swait.ge @!p0 [sflag:s0], s1  }
0x96: {  	s1 =	ssub.s32 @!p0 $0x0, s1;
	[sflag:s0] =	ssyncset.done @!p0 $0x0  }
0x97: {  	[sflag:s0] =	ssyncadd.s32 @!p0 s1  }
0x98: {  	[bflag:$0x3] =	sbarrier.arrive $0xFFFF  }
0x99: {  	_ =	shalt  }

</sc_bundles>
